<compile_context>
chip_gen: v7x
topology: tpu7x:2x2x1
jax: 0.10.2.dev20260603
libtpu: 0.0.44.dev20260713+nightly
codegen_flags: <defaults>
</compile_context>

<pallas_src>
import functools

import jax
import jax.numpy as jnp
from jax import lax
from jax.experimental import pallas as pl
from jax.experimental.pallas import tpu as pltpu
from jax.experimental.pallas import tpu_sc as plsc

N = 10000
NP = 10240
E = 320000
DF = 128
DE = 16
H = 128
EEMB = 64
K = 128
CH = 79
NC = 2
NS = 16
NW = NC * NS
EP = NW * CH * K
STRIPE = NP // NS

f32 = jnp.float32


def _mesh():
    return plsc.VectorSubcoreMesh(core_axis_name="c", subcore_axis_name="s")



def _sc_degree(dst3, ones_rows, zerosN):

    @functools.partial(
        pl.kernel,
        out_type=jax.ShapeDtypeStruct((NC, NP, H), f32),
        mesh=_mesh(),
        scratch_types=[
            pltpu.VMEM((CH, K), jnp.int32),
            pltpu.VMEM((K, H), f32),
            pltpu.VMEM_SHARED((NP, H), f32),
        ],
    )
    def deg_kernel(dst_hbm, ones_hbm, zeros_hbm, out_hbm, dst_v, ones_v, acc_sh):
        c = lax.axis_index("c")
        s = lax.axis_index("s")
        w = c * NS + s
        pltpu.sync_copy(dst_hbm.at[w], dst_v)
        pltpu.sync_copy(ones_hbm, ones_v)
        pltpu.sync_copy(zeros_hbm.at[pl.ds(s * STRIPE, STRIPE)],
                        acc_sh.at[pl.ds(s * STRIPE, STRIPE)])
        plsc.subcore_barrier()

        def chunk(j, carry):
            pltpu.sync_copy(ones_v, acc_sh.at[dst_v.at[j]], add=True)
            return carry

        lax.fori_loop(0, CH, chunk, 0)
        plsc.subcore_barrier()
        pltpu.sync_copy(acc_sh.at[pl.ds(s * STRIPE, STRIPE)],
                        out_hbm.at[c, pl.ds(s * STRIPE, STRIPE)])

    return deg_kernel(dst3, ones_rows, zerosN)


def _sc_segsum(y, src3, dst3, zerosN):

    @functools.partial(
        pl.kernel,
        out_type=jax.ShapeDtypeStruct((NC, NP, H), f32),
        mesh=_mesh(),
        scratch_types=[
            pltpu.VMEM((CH, K), jnp.int32),
            pltpu.VMEM((CH, K), jnp.int32),
            pltpu.VMEM((K, H), f32),
            pltpu.VMEM_SHARED((NP, H), f32),
            pltpu.SemaphoreType.DMA,
        ],
    )
    def seg_kernel(y_hbm, src_hbm, dst_hbm, zeros_hbm, out_hbm,
                   src_v, dst_v, rows_v, acc_sh, sem):
        c = lax.axis_index("c")
        s = lax.axis_index("s")
        w = c * NS + s
        pltpu.sync_copy(src_hbm.at[w], src_v)
        pltpu.sync_copy(dst_hbm.at[w], dst_v)
        pltpu.sync_copy(zeros_hbm.at[pl.ds(s * STRIPE, STRIPE)],
                        acc_sh.at[pl.ds(s * STRIPE, STRIPE)])
        plsc.subcore_barrier()

        def chunk(j, carry):
            pltpu.async_copy(y_hbm.at[src_v.at[j]], rows_v, sem).wait()
            pltpu.sync_copy(rows_v, acc_sh.at[dst_v.at[j]], add=True)
            return carry

        lax.fori_loop(0, CH, chunk, 0)
        plsc.subcore_barrier()
        pltpu.sync_copy(acc_sh.at[pl.ds(s * STRIPE, STRIPE)],
                        out_hbm.at[c, pl.ds(s * STRIPE, STRIPE)])

    return seg_kernel(y, src3, dst3, zerosN)


def _sc_gather_add(a_arr, b_arr, src3, dst3):

    @functools.partial(
        pl.kernel,
        out_type=jax.ShapeDtypeStruct((EP, H), f32),
        mesh=_mesh(),
        scratch_types=[
            pltpu.VMEM((CH, K), jnp.int32),
            pltpu.VMEM((CH, K), jnp.int32),
            pltpu.VMEM((K, H), f32),
            pltpu.VMEM((K, H), f32),
            pltpu.SemaphoreType.DMA,
            pltpu.SemaphoreType.DMA,
        ],
    )
    def ga_kernel(a_hbm, b_hbm, src_hbm, dst_hbm, out_hbm,
                  src_v, dst_v, bufa, bufb, sema, semb):
        c = lax.axis_index("c")
        s = lax.axis_index("s")
        w = c * NS + s
        pltpu.sync_copy(src_hbm.at[w], src_v)
        pltpu.sync_copy(dst_hbm.at[w], dst_v)

        def chunk(j, carry):
            cpa = pltpu.async_copy(a_hbm.at[src_v.at[j]], bufa, sema)
            cpb = pltpu.async_copy(b_hbm.at[dst_v.at[j]], bufb, semb)
            cpa.wait()
            cpb.wait()

            def vrow(r, carry2):
                for q in range(H // 16):
                    sl = pl.ds(q * 16, 16)
                    bufa[r, sl] = bufa[r, sl] + bufb[r, sl]
                return carry2

            lax.fori_loop(0, K, vrow, 0)
            pltpu.sync_copy(bufa, out_hbm.at[pl.ds((w * CH + j) * K, K)])
            return carry

        lax.fori_loop(0, CH, chunk, 0)

    return ga_kernel(a_arr, b_arr, src3, dst3)



def _full(shape):
    nd = len(shape)
    return pl.BlockSpec(shape, lambda i: (0,) * nd)


def _tc_embed(x_p, degp, ne_W1, ne_b1, ne_W2, ne_b2, g_W1):
    bn = 1024

    def body(x_ref, deg_ref, w1_ref, b1_ref, w2_ref, b2_ref, gw_ref,
             y_ref, dis_ref):
        t = jax.nn.relu(jnp.dot(x_ref[...], w1_ref[...],
                                preferred_element_type=f32) + b1_ref[...])
        ne = jax.nn.relu(jnp.dot(t, w2_ref[...],
                                 preferred_element_type=f32) + b2_ref[...])
        xw = jnp.dot(ne, gw_ref[...], preferred_element_type=f32)
        degf = deg_ref[...]
        deg = degf[0, :, :1] + degf[1, :, :1] + 1.0
        dis = lax.rsqrt(deg)
        y_ref[...] = xw * dis
        dis_ref[...] = dis

    return pl.pallas_call(
        body,
        grid=(NP // bn,),
        in_specs=[
            pl.BlockSpec((bn, DF), lambda i: (i, 0)),
            pl.BlockSpec((NC, bn, H), lambda i: (0, i, 0)),
            _full((DF, H)),
            _full((H,)),
            _full((H, H)),
            _full((H,)),
            _full((H, H)),
        ],
        out_specs=[
            pl.BlockSpec((bn, H), lambda i: (i, 0)),
            pl.BlockSpec((bn, 1), lambda i: (i, 0)),
        ],
        out_shape=[
            jax.ShapeDtypeStruct((NP, H), f32),
            jax.ShapeDtypeStruct((NP, 1), f32),
        ],
    )(x_p, degp, ne_W1, ne_b1, ne_W2, ne_b2, g_W1)


def _tc_layer(sparts, y, dis, b, W):
    bn = 1024

    def body(s_ref, y_ref, dis_ref, b_ref, w_ref, o_ref):
        sf = s_ref[...]
        dis = dis_ref[...]
        h = jax.nn.relu((sf[0] + sf[1] + y_ref[...]) * dis + b_ref[...])
        o_ref[...] = jnp.dot(h, w_ref[...], preferred_element_type=f32) * dis

    return pl.pallas_call(
        body,
        grid=(NP // bn,),
        in_specs=[
            pl.BlockSpec((NC, bn, H), lambda i: (0, i, 0)),
            pl.BlockSpec((bn, H), lambda i: (i, 0)),
            pl.BlockSpec((bn, 1), lambda i: (i, 0)),
            _full((H,)),
            _full((H, H)),
        ],
        out_specs=pl.BlockSpec((bn, H), lambda i: (i, 0)),
        out_shape=jax.ShapeDtypeStruct((NP, H), f32),
    )(sparts, y, dis, b, W)


def _tc_final(sparts, y, dis, b, W1a, W1b):
    bn = 1024

    def body(s_ref, y_ref, dis_ref, b_ref, wa_ref, wb_ref, a_ref, bo_ref):
        sf = s_ref[...]
        h3 = (sf[0] + sf[1] + y_ref[...]) * dis_ref[...] + b_ref[...]
        a_ref[...] = jnp.dot(h3, wa_ref[...], preferred_element_type=f32)
        bo_ref[...] = jnp.dot(h3, wb_ref[...], preferred_element_type=f32)

    return pl.pallas_call(
        body,
        grid=(NP // bn,),
        in_specs=[
            pl.BlockSpec((NC, bn, H), lambda i: (0, i, 0)),
            pl.BlockSpec((bn, H), lambda i: (i, 0)),
            pl.BlockSpec((bn, 1), lambda i: (i, 0)),
            _full((H,)),
            _full((H, H)),
            _full((H, H)),
        ],
        out_specs=[
            pl.BlockSpec((bn, H), lambda i: (i, 0)),
            pl.BlockSpec((bn, H), lambda i: (i, 0)),
        ],
        out_shape=[
            jax.ShapeDtypeStruct((NP, H), f32),
            jax.ShapeDtypeStruct((NP, H), f32),
        ],
    )(sparts, y, dis, b, W1a, W1b)


def _tc_head(G, ea_p, ee_W1, ee_b1, ee_W2, ee_b2, W1c,
             h_b1, h_W2, h_b2, h_W3, h_b3):
    be = 2048

    def body(g_ref, ea_ref, ew1, eb1, ew2, eb2, w1c, b1, w2, b2, w3, b3,
             o_ref):
        t = jax.nn.relu(jnp.dot(ea_ref[...], ew1[...],
                                preferred_element_type=f32) + eb1[...])
        emb = jax.nn.relu(jnp.dot(t, ew2[...],
                                  preferred_element_type=f32) + eb2[...])
        z1 = jax.nn.relu(g_ref[...] + jnp.dot(emb, w1c[...],
                                              preferred_element_type=f32)
                         + b1[...])
        z2 = jax.nn.relu(jnp.dot(z1, w2[...],
                                 preferred_element_type=f32) + b2[...])
        o_ref[...] = jnp.dot(z2, w3[...], preferred_element_type=f32) + b3[...]

    return pl.pallas_call(
        body,
        grid=(EP // be,),
        in_specs=[
            pl.BlockSpec((be, H), lambda i: (i, 0)),
            pl.BlockSpec((be, DE), lambda i: (i, 0)),
            _full((DE, H)),
            _full((H,)),
            _full((H, EEMB)),
            _full((EEMB,)),
            _full((EEMB, H)),
            _full((H,)),
            _full((H, EEMB)),
            _full((EEMB,)),
            _full((EEMB, 1)),
            _full((1,)),
        ],
        out_specs=pl.BlockSpec((be, 1), lambda i: (i, 0)),
        out_shape=jax.ShapeDtypeStruct((EP, 1), f32),
    )(G, ea_p, ee_W1, ee_b1, ee_W2, ee_b2, W1c, h_b1, h_W2, h_b2, h_W3, h_b3)



def kernel(x, edge_index, edge_attr,
           ne_W1, ne_b1, ne_W2, ne_b2,
           ee_W1, ee_b1, ee_W2, ee_b2,
           g_W1, g_b1, g_W2, g_b2, g_W3, g_b3,
           h_W1, h_b1, h_W2, h_b2, h_W3, h_b3):
    x_p = jnp.pad(x, ((0, NP - N), (0, 0)))
    ea_p = jnp.pad(edge_attr, ((0, EP - E), (0, 0)))
    src3 = jnp.pad(edge_index[0], (0, EP - E)).reshape(NW, CH, K)
    pad_dst = N + (jnp.arange(EP - E, dtype=jnp.int32) % (NP - N))
    dst3 = jnp.concatenate([edge_index[1], pad_dst]).reshape(NW, CH, K)
    ones_rows = jnp.ones((K, H), f32)
    zerosN = jnp.zeros((NP, H), f32)

    degp = _sc_degree(dst3, ones_rows, zerosN)
    y1, dis = _tc_embed(x_p, degp, ne_W1, ne_b1, ne_W2, ne_b2, g_W1)
    s1 = _sc_segsum(y1, src3, dst3, zerosN)
    y2 = _tc_layer(s1, y1, dis, g_b1, g_W2)
    s2 = _sc_segsum(y2, src3, dst3, zerosN)
    y3 = _tc_layer(s2, y2, dis, g_b2, g_W3)
    s3 = _sc_segsum(y3, src3, dst3, zerosN)
    W1a = h_W1[0:H]
    W1b = h_W1[H:2 * H]
    W1c = h_W1[2 * H:]
    a_arr, b_arr = _tc_final(s3, y3, dis, g_b3, W1a, W1b)
    G = _sc_gather_add(a_arr, b_arr, src3, dst3)
    pred = _tc_head(G, ea_p, ee_W1, ee_b1, ee_W2, ee_b2, W1c,
                    h_b1, h_W2, h_b2, h_W3, h_b3)
    return pred[:E, 0]

# --- scband reference (transcript-rebuilt; emitter-appended) ---
"""Pipeline reference for scband-edge-regression-model-39247411151002 (READ-ONLY COPY).

The authoritative reference and input builder live on the scoring server;
editing this copy changes nothing except your own understanding.
"""

import jax, jax.numpy as jnp
import numpy as np

N = 10000
E = 320000
DF = 128   # node input dim
DE = 16    # edge input dim
H = 128    # hidden_dim
NEMB = 128 # node_embedding_dim
EEMB = 64  # edge_embedding_dim


def setup_inputs(seed: int = 0) -> dict:
    key = jax.random.key(seed)
    ks = jax.random.split(key, 32)
    s = 0.05
    inp = {}
    inp['x'] = jax.random.normal(ks[0], (N, DF), dtype=jnp.float32)
    inp['edge_index'] = jax.random.randint(ks[1], (2, E), 0, N, dtype=jnp.int32)
    inp['edge_attr'] = jax.random.normal(ks[2], (E, DE), dtype=jnp.float32)
    # NodeEmbedder params: Linear(DF,H) -> ReLU -> Linear(H,NEMB) -> ReLU
    inp['ne_W1'] = jax.random.normal(ks[3], (DF, H), dtype=jnp.float32) * s
    inp['ne_b1'] = jnp.zeros((H,), dtype=jnp.float32)
    inp['ne_W2'] = jax.random.normal(ks[4], (H, NEMB), dtype=jnp.float32) * s
    inp['ne_b2'] = jnp.zeros((NEMB,), dtype=jnp.float32)
    # EdgeEmbedder params: Linear(DE,H) -> ReLU -> Linear(H,EEMB) -> ReLU
    inp['ee_W1'] = jax.random.normal(ks[5], (DE, H), dtype=jnp.float32) * s
    inp['ee_b1'] = jnp.zeros((H,), dtype=jnp.float32)
    inp['ee_W2'] = jax.random.normal(ks[6], (H, EEMB), dtype=jnp.float32) * s
    inp['ee_b2'] = jnp.zeros((EEMB,), dtype=jnp.float32)
    # 3 GCNConv layers: (NEMB->H), (H->H), (H->H)
    inp['g_W1'] = jax.random.normal(ks[7], (NEMB, H), dtype=jnp.float32) * s
    inp['g_b1'] = jnp.zeros((H,), dtype=jnp.float32)
    inp['g_W2'] = jax.random.normal(ks[8], (H, H), dtype=jnp.float32) * s
    inp['g_b2'] = jnp.zeros((H,), dtype=jnp.float32)
    inp['g_W3'] = jax.random.normal(ks[9], (H, H), dtype=jnp.float32) * s
    inp['g_b3'] = jnp.zeros((H,), dtype=jnp.float32)
    # EdgePredictionHead: Linear(2*H+EEMB, H) -> ReLU -> Linear(H, H//2) -> ReLU -> Linear(H//2, 1)
    inp['h_W1'] = jax.random.normal(ks[10], (2 * H + EEMB, H), dtype=jnp.float32) * s
    inp['h_b1'] = jnp.zeros((H,), dtype=jnp.float32)
    inp['h_W2'] = jax.random.normal(ks[11], (H, H // 2), dtype=jnp.float32) * s
    inp['h_b2'] = jnp.zeros((H // 2,), dtype=jnp.float32)
    inp['h_W3'] = jax.random.normal(ks[12], (H // 2, 1), dtype=jnp.float32) * s
    inp['h_b3'] = jnp.zeros((1,), dtype=jnp.float32)
    return inp


def gcn_conv(x, edge_index, W, b):
    # GCNConv with add_self_loops=True and symmetric normalization
    n = x.shape[0]
    xw = x @ W
    src = edge_index[0]
    dst = edge_index[1]
    loop = jnp.arange(n, dtype=src.dtype)
    src_f = jnp.concatenate([src, loop])
    dst_f = jnp.concatenate([dst, loop])
    ones = jnp.ones(src_f.shape[0], dtype=x.dtype)
    deg = jnp.zeros((n,), dtype=x.dtype).at[dst_f].add(ones)
    deg_inv_sqrt = jnp.where(deg > 0, deg ** -0.5, 0.0)
    norm = deg_inv_sqrt[src_f] * deg_inv_sqrt[dst_f]
    msgs = xw[src_f] * norm[:, None]
    out = jnp.zeros_like(xw).at[dst_f].add(msgs)
    return out + b


def reference(x, edge_index, edge_attr,
              ne_W1, ne_b1, ne_W2, ne_b2,
              ee_W1, ee_b1, ee_W2, ee_b2,
              g_W1, g_b1, g_W2, g_b2, g_W3, g_b3,
              h_W1, h_b1, h_W2, h_b2, h_W3, h_b3):
    # NodeEmbedder (dropout is identity in eval)
    h_node = jax.nn.relu(x @ ne_W1 + ne_b1)
    node_emb = jax.nn.relu(h_node @ ne_W2 + ne_b2)
    # EdgeEmbedder
    h_edge = jax.nn.relu(edge_attr @ ee_W1 + ee_b1)
    edge_emb = jax.nn.relu(h_edge @ ee_W2 + ee_b2)
    # MessagePassingGCN: 3 layers, ReLU between (not after last)
    h = gcn_conv(node_emb, edge_index, g_W1, g_b1)
    h = jax.nn.relu(h)
    h = gcn_conv(h, edge_index, g_W2, g_b2)
    h = jax.nn.relu(h)
    h = gcn_conv(h, edge_index, g_W3, g_b3)
    # EdgePredictionHead
    src_emb = h[edge_index[0]]
    tgt_emb = h[edge_index[1]]
    feats = jnp.concatenate([src_emb, tgt_emb, edge_emb], axis=1)
    z = jax.nn.relu(feats @ h_W1 + h_b1)
    z = jax.nn.relu(z @ h_W2 + h_b2)
    pred = z @ h_W3 + h_b3
    return pred.squeeze(-1)

if __name__ == "__main__":
    import jax
    _d = setup_inputs()
    print(jax.jit(kernel)(*tuple(_d.values())))

</pallas_src>

<mosaic_0001>
#map = affine_map<(d0, d1) -> (0, 0)>
#map1 = affine_map<(d0, d1) -> (0, 0, 0)>
module attributes {stable_mosaic.version = 14 : i64} {
  func.func @seg_kernel(%arg0: i32, %arg1: i32, %arg2: memref<10240x128xf32, #tpu.memory_space<hbm>>, %arg3: memref<32x79x128xi32, #tpu.memory_space<hbm>>, %arg4: memref<32x79x128xi32, #tpu.memory_space<hbm>>, %arg5: memref<10240x128xf32, #tpu.memory_space<hbm>>, %arg6: memref<2x10240x128xf32, #tpu.memory_space<hbm>>, %arg7: memref<79x128xi32, #tpu.memory_space<vmem>>, %arg8: memref<79x128xi32, #tpu.memory_space<vmem>>, %arg9: memref<128x128xf32, #tpu.memory_space<vmem>>, %arg10: memref<10240x128xf32, #tpu.memory_space<vmem_shared>>, %arg11: memref<!tpu.dma_semaphore, #tpu.memory_space<semaphore_mem>>) attributes {dimension_semantics = [#tpu.dimension_semantics<core_parallel>, #tpu.dimension_semantics<subcore_parallel>], iteration_bounds = array<i64: 2, 16>, scalar_prefetch = 0 : i64, scratch_operands = 5 : i64, tpu.core_type = #tpu.core_type<sc_vector_subcore>, window_params = [{transform_indices = #map}, {transform_indices = #map1}, {transform_indices = #map1}, {transform_indices = #map}, {transform_indices = #map1}]} {
    %mul3A = arith.constant 16 : i32
    %mul3A_0 = arith.muli %arg0, %mul3A : i32
    %add3A = arith.addi %mul3A_0, %arg1 : i32
    "tpu.region"() ({
      %run_scoped3A = tpu.sem_alloc : memref<!tpu.dma_semaphore, #tpu.memory_space<semaphore_mem>>
      %dma_start3A = arith.constant 0 : i32
      %dma_start3A_15 = arith.constant 0 : i32
      %dma_start3A_16 = tpu.memref_slice %arg3[%add3A, %dma_start3A, %dma_start3A_15] : memref<32x79x128xi32, #tpu.memory_space<hbm>> -> memref<1x79x128xi32, #tpu.memory_space<hbm>>
      %dma_start3A_17 = tpu.memref_squeeze %dma_start3A_16 : memref<1x79x128xi32, #tpu.memory_space<hbm>> -> memref<79x128xi32, #tpu.memory_space<hbm>>
      %dma_start3A_18 = arith.constant 0 : i32
      %dma_start3A_19 = arith.constant 0 : i32
      %dma_start3A_20 = tpu.memref_slice %arg3[%add3A, %dma_start3A_18, %dma_start3A_19] : memref<32x79x128xi32, #tpu.memory_space<hbm>> -> memref<1x79x128xi32, #tpu.memory_space<hbm>>
      %dma_start3A_21 = tpu.memref_squeeze %dma_start3A_20 : memref<1x79x128xi32, #tpu.memory_space<hbm>> -> memref<79x128xi32, #tpu.memory_space<hbm>>
      tpu.enqueue_dma source(%dma_start3A_21 : memref<79x128xi32, #tpu.memory_space<hbm>>) target(%arg7 : memref<79x128xi32, #tpu.memory_space<vmem>>) target_semaphore(%run_scoped3A : memref<!tpu.dma_semaphore, #tpu.memory_space<semaphore_mem>>)
      %dma_wait3A = arith.constant 0 : i32
      %dma_wait3A_22 = arith.constant 0 : i32
      %dma_wait3A_23 = tpu.memref_slice %arg3[%add3A, %dma_wait3A, %dma_wait3A_22] : memref<32x79x128xi32, #tpu.memory_space<hbm>> -> memref<1x79x128xi32, #tpu.memory_space<hbm>>
      %dma_wait3A_24 = tpu.memref_squeeze %dma_wait3A_23 : memref<1x79x128xi32, #tpu.memory_space<hbm>> -> memref<79x128xi32, #tpu.memory_space<hbm>>
      %dma_wait3A_25 = arith.constant 0 : i32
      %dma_wait3A_26 = arith.constant 0 : i32
      %dma_wait3A_27 = tpu.memref_slice %arg3[%add3A, %dma_wait3A_25, %dma_wait3A_26] : memref<32x79x128xi32, #tpu.memory_space<hbm>> -> memref<1x79x128xi32, #tpu.memory_space<hbm>>
      %dma_wait3A_28 = tpu.memref_squeeze %dma_wait3A_27 : memref<1x79x128xi32, #tpu.memory_space<hbm>> -> memref<79x128xi32, #tpu.memory_space<hbm>>
      tpu.wait_dma2 semaphore(%run_scoped3A : memref<!tpu.dma_semaphore, #tpu.memory_space<semaphore_mem>>) src(%dma_wait3A_28 : memref<79x128xi32, #tpu.memory_space<hbm>>) dst(%arg7 : memref<79x128xi32, #tpu.memory_space<vmem>>)
      tpu.yield
    }) : () -> ()
    "tpu.region"() ({
      %run_scoped3A = tpu.sem_alloc : memref<!tpu.dma_semaphore, #tpu.memory_space<semaphore_mem>>
      %dma_start3A = arith.constant 0 : i32
      %dma_start3A_15 = arith.constant 0 : i32
      %dma_start3A_16 = tpu.memref_slice %arg4[%add3A, %dma_start3A, %dma_start3A_15] : memref<32x79x128xi32, #tpu.memory_space<hbm>> -> memref<1x79x128xi32, #tpu.memory_space<hbm>>
      %dma_start3A_17 = tpu.memref_squeeze %dma_start3A_16 : memref<1x79x128xi32, #tpu.memory_space<hbm>> -> memref<79x128xi32, #tpu.memory_space<hbm>>
      %dma_start3A_18 = arith.constant 0 : i32
      %dma_start3A_19 = arith.constant 0 : i32
      %dma_start3A_20 = tpu.memref_slice %arg4[%add3A, %dma_start3A_18, %dma_start3A_19] : memref<32x79x128xi32, #tpu.memory_space<hbm>> -> memref<1x79x128xi32, #tpu.memory_space<hbm>>
      %dma_start3A_21 = tpu.memref_squeeze %dma_start3A_20 : memref<1x79x128xi32, #tpu.memory_space<hbm>> -> memref<79x128xi32, #tpu.memory_space<hbm>>
      tpu.enqueue_dma source(%dma_start3A_21 : memref<79x128xi32, #tpu.memory_space<hbm>>) target(%arg8 : memref<79x128xi32, #tpu.memory_space<vmem>>) target_semaphore(%run_scoped3A : memref<!tpu.dma_semaphore, #tpu.memory_space<semaphore_mem>>)
      %dma_wait3A = arith.constant 0 : i32
      %dma_wait3A_22 = arith.constant 0 : i32
      %dma_wait3A_23 = tpu.memref_slice %arg4[%add3A, %dma_wait3A, %dma_wait3A_22] : memref<32x79x128xi32, #tpu.memory_space<hbm>> -> memref<1x79x128xi32, #tpu.memory_space<hbm>>
      %dma_wait3A_24 = tpu.memref_squeeze %dma_wait3A_23 : memref<1x79x128xi32, #tpu.memory_space<hbm>> -> memref<79x128xi32, #tpu.memory_space<hbm>>
      %dma_wait3A_25 = arith.constant 0 : i32
      %dma_wait3A_26 = arith.constant 0 : i32
      %dma_wait3A_27 = tpu.memref_slice %arg4[%add3A, %dma_wait3A_25, %dma_wait3A_26] : memref<32x79x128xi32, #tpu.memory_space<hbm>> -> memref<1x79x128xi32, #tpu.memory_space<hbm>>
      %dma_wait3A_28 = tpu.memref_squeeze %dma_wait3A_27 : memref<1x79x128xi32, #tpu.memory_space<hbm>> -> memref<79x128xi32, #tpu.memory_space<hbm>>
      tpu.wait_dma2 semaphore(%run_scoped3A : memref<!tpu.dma_semaphore, #tpu.memory_space<semaphore_mem>>) src(%dma_wait3A_28 : memref<79x128xi32, #tpu.memory_space<hbm>>) dst(%arg8 : memref<79x128xi32, #tpu.memory_space<vmem>>)
      tpu.yield
    }) : () -> ()
    %mul3A_1 = arith.constant 640 : i32
    %mul3A_2 = arith.muli %arg1, %mul3A_1 : i32
    %mul3A_3 = arith.constant 640 : i32
    %mul3A_4 = arith.muli %arg1, %mul3A_3 : i32
    "tpu.region"() ({
      %run_scoped3A = tpu.sem_alloc : memref<!tpu.dma_semaphore, #tpu.memory_space<semaphore_mem>>
      %dma_start3A = arith.constant 0 : i32
      %dma_start3A_15 = tpu.memref_slice %arg10[%mul3A_4, %dma_start3A] : memref<10240x128xf32, #tpu.memory_space<vmem_shared>> -> memref<640x128xf32, #tpu.memory_space<vmem_shared>>
      %dma_start3A_16 = arith.constant 0 : i32
      %dma_start3A_17 = tpu.memref_slice %arg5[%mul3A_2, %dma_start3A_16] : memref<10240x128xf32, #tpu.memory_space<hbm>> -> memref<640x128xf32, #tpu.memory_space<hbm>>
      tpu.enqueue_dma source(%dma_start3A_17 : memref<640x128xf32, #tpu.memory_space<hbm>>) target(%dma_start3A_15 : memref<640x128xf32, #tpu.memory_space<vmem_shared>>) target_semaphore(%run_scoped3A : memref<!tpu.dma_semaphore, #tpu.memory_space<semaphore_mem>>)
      %dma_wait3A = arith.constant 0 : i32
      %dma_wait3A_18 = tpu.memref_slice %arg10[%mul3A_4, %dma_wait3A] : memref<10240x128xf32, #tpu.memory_space<vmem_shared>> -> memref<640x128xf32, #tpu.memory_space<vmem_shared>>
      %dma_wait3A_19 = arith.constant 0 : i32
      %dma_wait3A_20 = tpu.memref_slice %arg5[%mul3A_2, %dma_wait3A_19] : memref<10240x128xf32, #tpu.memory_space<hbm>> -> memref<640x128xf32, #tpu.memory_space<hbm>>
      tpu.wait_dma2 semaphore(%run_scoped3A : memref<!tpu.dma_semaphore, #tpu.memory_space<semaphore_mem>>) src(%dma_wait3A_20 : memref<640x128xf32, #tpu.memory_space<hbm>>) dst(%dma_wait3A_18 : memref<640x128xf32, #tpu.memory_space<vmem_shared>>)
      tpu.yield
    }) : () -> ()
    %barrier3A = arith.constant 0 : index
    tpu.barrier barrier_id(%barrier3A)
    %scan3A = arith.constant 0 : i32
    %scan3A_5 = arith.constant 0 : i32
    %scan3A_6 = arith.constant 79 : i32
    %scan3A_7 = arith.addi %scan3A_5, %scan3A_6 : i32
    %scan3A_8 = arith.constant 1 : i32
    scf.for %scan3A_15 = %scan3A_5 to %scan3A_7 step %scan3A_8  : i32 {
      %dma_start3A = arith.constant 0 : i32
      %dma_start3A_16 = tpu.memref_slice %arg7[%scan3A_15, %dma_start3A] : memref<79x128xi32, #tpu.memory_space<vmem>> -> memref<1x128xi32, #tpu.memory_space<vmem>>
      %dma_start3A_17 = tpu.memref_squeeze %dma_start3A_16 : memref<1x128xi32, #tpu.memory_space<vmem>> -> memref<128xi32, #tpu.memory_space<vmem>>
      %dma_start3A_18 = arith.constant 0 : i32
      %dma_start3A_19 = arith.constant 0 : i32
      %dma_start3A_20 = tpu.memref_slice %arg2[%dma_start3A_18, %dma_start3A_19] : memref<10240x128xf32, #tpu.memory_space<hbm>> -> memref<10240x128xf32, #tpu.memory_space<hbm>>
      tpu.enqueue_indirect_dma source(%dma_start3A_20 : memref<10240x128xf32, #tpu.memory_space<hbm>>) target(%arg9 : memref<128x128xf32, #tpu.memory_space<vmem>>) offsets(%dma_start3A_17 : memref<128xi32, #tpu.memory_space<vmem>>) semaphore(%arg11 : memref<!tpu.dma_semaphore, #tpu.memory_space<semaphore_mem>>)
      %dma_wait3A = arith.constant 0 : i32
      %dma_wait3A_21 = tpu.memref_slice %arg7[%scan3A_15, %dma_wait3A] : memref<79x128xi32, #tpu.memory_space<vmem>> -> memref<1x128xi32, #tpu.memory_space<vmem>>
      %dma_wait3A_22 = tpu.memref_squeeze %dma_wait3A_21 : memref<1x128xi32, #tpu.memory_space<vmem>> -> memref<128xi32, #tpu.memory_space<vmem>>
      %dma_wait3A_23 = arith.constant 0 : i32
      %dma_wait3A_24 = arith.constant 0 : i32
      %dma_wait3A_25 = tpu.memref_slice %arg2[%dma_wait3A_23, %dma_wait3A_24] : memref<10240x128xf32, #tpu.memory_space<hbm>> -> memref<10240x128xf32, #tpu.memory_space<hbm>>
      tpu.wait_indirect_dma semaphore(%arg11 : memref<!tpu.dma_semaphore, #tpu.memory_space<semaphore_mem>>) src(%dma_wait3A_25 : memref<10240x128xf32, #tpu.memory_space<hbm>>) dst(%arg9 : memref<128x128xf32, #tpu.memory_space<vmem>>)
      "tpu.region"() ({
        %run_scoped3A = tpu.sem_alloc : memref<!tpu.dma_semaphore, #tpu.memory_space<semaphore_mem>>
        %dma_start3A_26 = arith.constant 0 : i32
        %dma_start3A_27 = tpu.memref_slice %arg8[%scan3A_15, %dma_start3A_26] : memref<79x128xi32, #tpu.memory_space<vmem>> -> memref<1x128xi32, #tpu.memory_space<vmem>>
        %dma_start3A_28 = tpu.memref_squeeze %dma_start3A_27 : memref<1x128xi32, #tpu.memory_space<vmem>> -> memref<128xi32, #tpu.memory_space<vmem>>
        %dma_start3A_29 = arith.constant 0 : i32
        %dma_start3A_30 = arith.constant 0 : i32
        %dma_start3A_31 = tpu.memref_slice %arg10[%dma_start3A_29, %dma_start3A_30] : memref<10240x128xf32, #tpu.memory_space<vmem_shared>> -> memref<10240x128xf32, #tpu.memory_space<vmem_shared>>
        tpu.enqueue_indirect_dma source(%arg9 : memref<128x128xf32, #tpu.memory_space<vmem>>) target(%dma_start3A_31 : memref<10240x128xf32, #tpu.memory_space<vmem_shared>>) offsets(%dma_start3A_28 : memref<128xi32, #tpu.memory_space<vmem>>) semaphore(%run_scoped3A : memref<!tpu.dma_semaphore, #tpu.memory_space<semaphore_mem>>) {add = true}
        %dma_wait3A_32 = arith.constant 0 : i32
        %dma_wait3A_33 = tpu.memref_slice %arg8[%scan3A_15, %dma_wait3A_32] : memref<79x128xi32, #tpu.memory_space<vmem>> -> memref<1x128xi32, #tpu.memory_space<vmem>>
        %dma_wait3A_34 = tpu.memref_squeeze %dma_wait3A_33 : memref<1x128xi32, #tpu.memory_space<vmem>> -> memref<128xi32, #tpu.memory_space<vmem>>
        %dma_wait3A_35 = arith.constant 0 : i32
        %dma_wait3A_36 = arith.constant 0 : i32
        %dma_wait3A_37 = tpu.memref_slice %arg10[%dma_wait3A_35, %dma_wait3A_36] : memref<10240x128xf32, #tpu.memory_space<vmem_shared>> -> memref<10240x128xf32, #tpu.memory_space<vmem_shared>>
        tpu.wait_indirect_dma semaphore(%run_scoped3A : memref<!tpu.dma_semaphore, #tpu.memory_space<semaphore_mem>>) src(%arg9 : memref<128x128xf32, #tpu.memory_space<vmem>>) dst(%dma_wait3A_37 : memref<10240x128xf32, #tpu.memory_space<vmem_shared>>)
        tpu.yield
      }) : () -> ()
    }
    %scan3A_9 = arith.constant 79 : i32
    %barrier3A_10 = arith.constant 0 : index
    tpu.barrier barrier_id(%barrier3A_10)
    %mul3A_11 = arith.constant 640 : i32
    %mul3A_12 = arith.muli %arg1, %mul3A_11 : i32
    %mul3A_13 = arith.constant 640 : i32
    %mul3A_14 = arith.muli %arg1, %mul3A_13 : i32
    "tpu.region"() ({
      %run_scoped3A = tpu.sem_alloc : memref<!tpu.dma_semaphore, #tpu.memory_space<semaphore_mem>>
      %dma_start3A = arith.constant 0 : i32
      %dma_start3A_15 = tpu.memref_slice %arg6[%arg0, %mul3A_14, %dma_start3A] : memref<2x10240x128xf32, #tpu.memory_space<hbm>> -> memref<1x640x128xf32, #tpu.memory_space<hbm>>
      %dma_start3A_16 = tpu.memref_squeeze %dma_start3A_15 : memref<1x640x128xf32, #tpu.memory_space<hbm>> -> memref<640x128xf32, #tpu.memory_space<hbm>>
      %dma_start3A_17 = arith.constant 0 : i32
      %dma_start3A_18 = tpu.memref_slice %arg10[%mul3A_12, %dma_start3A_17] : memref<10240x128xf32, #tpu.memory_space<vmem_shared>> -> memref<640x128xf32, #tpu.memory_space<vmem_shared>>
      tpu.enqueue_dma source(%dma_start3A_18 : memref<640x128xf32, #tpu.memory_space<vmem_shared>>) target(%dma_start3A_16 : memref<640x128xf32, #tpu.memory_space<hbm>>) target_semaphore(%run_scoped3A : memref<!tpu.dma_semaphore, #tpu.memory_space<semaphore_mem>>)
      %dma_wait3A = arith.constant 0 : i32
      %dma_wait3A_19 = tpu.memref_slice %arg6[%arg0, %mul3A_14, %dma_wait3A] : memref<2x10240x128xf32, #tpu.memory_space<hbm>> -> memref<1x640x128xf32, #tpu.memory_space<hbm>>
      %dma_wait3A_20 = tpu.memref_squeeze %dma_wait3A_19 : memref<1x640x128xf32, #tpu.memory_space<hbm>> -> memref<640x128xf32, #tpu.memory_space<hbm>>
      %dma_wait3A_21 = arith.constant 0 : i32
      %dma_wait3A_22 = tpu.memref_slice %arg10[%mul3A_12, %dma_wait3A_21] : memref<10240x128xf32, #tpu.memory_space<vmem_shared>> -> memref<640x128xf32, #tpu.memory_space<vmem_shared>>
      tpu.wait_dma2 semaphore(%run_scoped3A : memref<!tpu.dma_semaphore, #tpu.memory_space<semaphore_mem>>) src(%dma_wait3A_22 : memref<640x128xf32, #tpu.memory_space<vmem_shared>>) dst(%dma_wait3A_20 : memref<640x128xf32, #tpu.memory_space<hbm>>)
      tpu.yield
    }) : () -> ()
    return
  }
}

#map = affine_map<(d0, d1) -> (0, 0, 0)>
#map1 = affine_map<(d0, d1) -> (0, 0)>
module attributes {stable_mosaic.version = 14 : i64} {
  func.func @deg_kernel(%arg0: i32, %arg1: i32, %arg2: memref<32x79x128xi32, #tpu.memory_space<hbm>>, %arg3: memref<128x128xf32, #tpu.memory_space<hbm>>, %arg4: memref<10240x128xf32, #tpu.memory_space<hbm>>, %arg5: memref<2x10240x128xf32, #tpu.memory_space<hbm>>, %arg6: memref<79x128xi32, #tpu.memory_space<vmem>>, %arg7: memref<128x128xf32, #tpu.memory_space<vmem>>, %arg8: memref<10240x128xf32, #tpu.memory_space<vmem_shared>>) attributes {dimension_semantics = [#tpu.dimension_semantics<core_parallel>, #tpu.dimension_semantics<subcore_parallel>], iteration_bounds = array<i64: 2, 16>, scalar_prefetch = 0 : i64, scratch_operands = 3 : i64, tpu.core_type = #tpu.core_type<sc_vector_subcore>, window_params = [{transform_indices = #map}, {transform_indices = #map1}, {transform_indices = #map1}, {transform_indices = #map}]} {
    %mul3A = arith.constant 16 : i32
    %mul3A_0 = arith.muli %arg0, %mul3A : i32
    %add3A = arith.addi %mul3A_0, %arg1 : i32
    "tpu.region"() ({
      %run_scoped3A = tpu.sem_alloc : memref<!tpu.dma_semaphore, #tpu.memory_space<semaphore_mem>>
      %dma_start3A = arith.constant 0 : i32
      %dma_start3A_15 = arith.constant 0 : i32
      %dma_start3A_16 = tpu.memref_slice %arg2[%add3A, %dma_start3A, %dma_start3A_15] : memref<32x79x128xi32, #tpu.memory_space<hbm>> -> memref<1x79x128xi32, #tpu.memory_space<hbm>>
      %dma_start3A_17 = tpu.memref_squeeze %dma_start3A_16 : memref<1x79x128xi32, #tpu.memory_space<hbm>> -> memref<79x128xi32, #tpu.memory_space<hbm>>
      %dma_start3A_18 = arith.constant 0 : i32
      %dma_start3A_19 = arith.constant 0 : i32
      %dma_start3A_20 = tpu.memref_slice %arg2[%add3A, %dma_start3A_18, %dma_start3A_19] : memref<32x79x128xi32, #tpu.memory_space<hbm>> -> memref<1x79x128xi32, #tpu.memory_space<hbm>>
      %dma_start3A_21 = tpu.memref_squeeze %dma_start3A_20 : memref<1x79x128xi32, #tpu.memory_space<hbm>> -> memref<79x128xi32, #tpu.memory_space<hbm>>
      tpu.enqueue_dma source(%dma_start3A_21 : memref<79x128xi32, #tpu.memory_space<hbm>>) target(%arg6 : memref<79x128xi32, #tpu.memory_space<vmem>>) target_semaphore(%run_scoped3A : memref<!tpu.dma_semaphore, #tpu.memory_space<semaphore_mem>>)
      %dma_wait3A = arith.constant 0 : i32
      %dma_wait3A_22 = arith.constant 0 : i32
      %dma_wait3A_23 = tpu.memref_slice %arg2[%add3A, %dma_wait3A, %dma_wait3A_22] : memref<32x79x128xi32, #tpu.memory_space<hbm>> -> memref<1x79x128xi32, #tpu.memory_space<hbm>>
      %dma_wait3A_24 = tpu.memref_squeeze %dma_wait3A_23 : memref<1x79x128xi32, #tpu.memory_space<hbm>> -> memref<79x128xi32, #tpu.memory_space<hbm>>
      %dma_wait3A_25 = arith.constant 0 : i32
      %dma_wait3A_26 = arith.constant 0 : i32
      %dma_wait3A_27 = tpu.memref_slice %arg2[%add3A, %dma_wait3A_25, %dma_wait3A_26] : memref<32x79x128xi32, #tpu.memory_space<hbm>> -> memref<1x79x128xi32, #tpu.memory_space<hbm>>
      %dma_wait3A_28 = tpu.memref_squeeze %dma_wait3A_27 : memref<1x79x128xi32, #tpu.memory_space<hbm>> -> memref<79x128xi32, #tpu.memory_space<hbm>>
      tpu.wait_dma2 semaphore(%run_scoped3A : memref<!tpu.dma_semaphore, #tpu.memory_space<semaphore_mem>>) src(%dma_wait3A_28 : memref<79x128xi32, #tpu.memory_space<hbm>>) dst(%arg6 : memref<79x128xi32, #tpu.memory_space<vmem>>)
      tpu.yield
    }) : () -> ()
    "tpu.region"() ({
      %run_scoped3A = tpu.sem_alloc : memref<!tpu.dma_semaphore, #tpu.memory_space<semaphore_mem>>
      tpu.enqueue_dma source(%arg3 : memref<128x128xf32, #tpu.memory_space<hbm>>) target(%arg7 : memref<128x128xf32, #tpu.memory_space<vmem>>) target_semaphore(%run_scoped3A : memref<!tpu.dma_semaphore, #tpu.memory_space<semaphore_mem>>)
      tpu.wait_dma2 semaphore(%run_scoped3A : memref<!tpu.dma_semaphore, #tpu.memory_space<semaphore_mem>>) src(%arg3 : memref<128x128xf32, #tpu.memory_space<hbm>>) dst(%arg7 : memref<128x128xf32, #tpu.memory_space<vmem>>)
      tpu.yield
    }) : () -> ()
    %mul3A_1 = arith.constant 640 : i32
    %mul3A_2 = arith.muli %arg1, %mul3A_1 : i32
    %mul3A_3 = arith.constant 640 : i32
    %mul3A_4 = arith.muli %arg1, %mul3A_3 : i32
    "tpu.region"() ({
      %run_scoped3A = tpu.sem_alloc : memref<!tpu.dma_semaphore, #tpu.memory_space<semaphore_mem>>
      %dma_start3A = arith.constant 0 : i32
      %dma_start3A_15 = tpu.memref_slice %arg8[%mul3A_4, %dma_start3A] : memref<10240x128xf32, #tpu.memory_space<vmem_shared>> -> memref<640x128xf32, #tpu.memory_space<vmem_shared>>
      %dma_start3A_16 = arith.constant 0 : i32
      %dma_start3A_17 = tpu.memref_slice %arg4[%mul3A_2, %dma_start3A_16] : memref<10240x128xf32, #tpu.memory_space<hbm>> -> memref<640x128xf32, #tpu.memory_space<hbm>>
      tpu.enqueue_dma source(%dma_start3A_17 : memref<640x128xf32, #tpu.memory_space<hbm>>) target(%dma_start3A_15 : memref<640x128xf32, #tpu.memory_space<vmem_shared>>) target_semaphore(%run_scoped3A : memref<!tpu.dma_semaphore, #tpu.memory_space<semaphore_mem>>)
      %dma_wait3A = arith.constant 0 : i32
      %dma_wait3A_18 = tpu.memref_slice %arg8[%mul3A_4, %dma_wait3A] : memref<10240x128xf32, #tpu.memory_space<vmem_shared>> -> memref<640x128xf32, #tpu.memory_space<vmem_shared>>
      %dma_wait3A_19 = arith.constant 0 : i32
      %dma_wait3A_20 = tpu.memref_slice %arg4[%mul3A_2, %dma_wait3A_19] : memref<10240x128xf32, #tpu.memory_space<hbm>> -> memref<640x128xf32, #tpu.memory_space<hbm>>
      tpu.wait_dma2 semaphore(%run_scoped3A : memref<!tpu.dma_semaphore, #tpu.memory_space<semaphore_mem>>) src(%dma_wait3A_20 : memref<640x128xf32, #tpu.memory_space<hbm>>) dst(%dma_wait3A_18 : memref<640x128xf32, #tpu.memory_space<vmem_shared>>)
      tpu.yield
    }) : () -> ()
    %barrier3A = arith.constant 0 : index
    tpu.barrier barrier_id(%barrier3A)
    %scan3A = arith.constant 0 : i32
    %scan3A_5 = arith.constant 0 : i32
    %scan3A_6 = arith.constant 79 : i32
    %scan3A_7 = arith.addi %scan3A_5, %scan3A_6 : i32
    %scan3A_8 = arith.constant 1 : i32
    scf.for %scan3A_15 = %scan3A_5 to %scan3A_7 step %scan3A_8  : i32 {
      "tpu.region"() ({
        %run_scoped3A = tpu.sem_alloc : memref<!tpu.dma_semaphore, #tpu.memory_space<semaphore_mem>>
        %dma_start3A = arith.constant 0 : i32
        %dma_start3A_16 = tpu.memref_slice %arg6[%scan3A_15, %dma_start3A] : memref<79x128xi32, #tpu.memory_space<vmem>> -> memref<1x128xi32, #tpu.memory_space<vmem>>
        %dma_start3A_17 = tpu.memref_squeeze %dma_start3A_16 : memref<1x128xi32, #tpu.memory_space<vmem>> -> memref<128xi32, #tpu.memory_space<vmem>>
        %dma_start3A_18 = arith.constant 0 : i32
        %dma_start3A_19 = arith.constant 0 : i32
        %dma_start3A_20 = tpu.memref_slice %arg8[%dma_start3A_18, %dma_start3A_19] : memref<10240x128xf32, #tpu.memory_space<vmem_shared>> -> memref<10240x128xf32, #tpu.memory_space<vmem_shared>>
        tpu.enqueue_indirect_dma source(%arg7 : memref<128x128xf32, #tpu.memory_space<vmem>>) target(%dma_start3A_20 : memref<10240x128xf32, #tpu.memory_space<vmem_shared>>) offsets(%dma_start3A_17 : memref<128xi32, #tpu.memory_space<vmem>>) semaphore(%run_scoped3A : memref<!tpu.dma_semaphore, #tpu.memory_space<semaphore_mem>>) {add = true}
        %dma_wait3A = arith.constant 0 : i32
        %dma_wait3A_21 = tpu.memref_slice %arg6[%scan3A_15, %dma_wait3A] : memref<79x128xi32, #tpu.memory_space<vmem>> -> memref<1x128xi32, #tpu.memory_space<vmem>>
        %dma_wait3A_22 = tpu.memref_squeeze %dma_wait3A_21 : memref<1x128xi32, #tpu.memory_space<vmem>> -> memref<128xi32, #tpu.memory_space<vmem>>
        %dma_wait3A_23 = arith.constant 0 : i32
        %dma_wait3A_24 = arith.constant 0 : i32
        %dma_wait3A_25 = tpu.memref_slice %arg8[%dma_wait3A_23, %dma_wait3A_24] : memref<10240x128xf32, #tpu.memory_space<vmem_shared>> -> memref<10240x128xf32, #tpu.memory_space<vmem_shared>>
        tpu.wait_indirect_dma semaphore(%run_scoped3A : memref<!tpu.dma_semaphore, #tpu.memory_space<semaphore_mem>>) src(%arg7 : memref<128x128xf32, #tpu.memory_space<vmem>>) dst(%dma_wait3A_25 : memref<10240x128xf32, #tpu.memory_space<vmem_shared>>)
        tpu.yield
      }) : () -> ()
    }
    %scan3A_9 = arith.constant 79 : i32
    %barrier3A_10 = arith.constant 0 : index
    tpu.barrier barrier_id(%barrier3A_10)
    %mul3A_11 = arith.constant 640 : i32
    %mul3A_12 = arith.muli %arg1, %mul3A_11 : i32
    %mul3A_13 = arith.constant 640 : i32
    %mul3A_14 = arith.muli %arg1, %mul3A_13 : i32
    "tpu.region"() ({
      %run_scoped3A = tpu.sem_alloc : memref<!tpu.dma_semaphore, #tpu.memory_space<semaphore_mem>>
      %dma_start3A = arith.constant 0 : i32
      %dma_start3A_15 = tpu.memref_slice %arg5[%arg0, %mul3A_14, %dma_start3A] : memref<2x10240x128xf32, #tpu.memory_space<hbm>> -> memref<1x640x128xf32, #tpu.memory_space<hbm>>
      %dma_start3A_16 = tpu.memref_squeeze %dma_start3A_15 : memref<1x640x128xf32, #tpu.memory_space<hbm>> -> memref<640x128xf32, #tpu.memory_space<hbm>>
      %dma_start3A_17 = arith.constant 0 : i32
      %dma_start3A_18 = tpu.memref_slice %arg8[%mul3A_12, %dma_start3A_17] : memref<10240x128xf32, #tpu.memory_space<vmem_shared>> -> memref<640x128xf32, #tpu.memory_space<vmem_shared>>
      tpu.enqueue_dma source(%dma_start3A_18 : memref<640x128xf32, #tpu.memory_space<vmem_shared>>) target(%dma_start3A_16 : memref<640x128xf32, #tpu.memory_space<hbm>>) target_semaphore(%run_scoped3A : memref<!tpu.dma_semaphore, #tpu.memory_space<semaphore_mem>>)
      %dma_wait3A = arith.constant 0 : i32
      %dma_wait3A_19 = tpu.memref_slice %arg5[%arg0, %mul3A_14, %dma_wait3A] : memref<2x10240x128xf32, #tpu.memory_space<hbm>> -> memref<1x640x128xf32, #tpu.memory_space<hbm>>
      %dma_wait3A_20 = tpu.memref_squeeze %dma_wait3A_19 : memref<1x640x128xf32, #tpu.memory_space<hbm>> -> memref<640x128xf32, #tpu.memory_space<hbm>>
      %dma_wait3A_21 = arith.constant 0 : i32
      %dma_wait3A_22 = tpu.memref_slice %arg8[%mul3A_12, %dma_wait3A_21] : memref<10240x128xf32, #tpu.memory_space<vmem_shared>> -> memref<640x128xf32, #tpu.memory_space<vmem_shared>>
      tpu.wait_dma2 semaphore(%run_scoped3A : memref<!tpu.dma_semaphore, #tpu.memory_space<semaphore_mem>>) src(%dma_wait3A_22 : memref<640x128xf32, #tpu.memory_space<vmem_shared>>) dst(%dma_wait3A_20 : memref<640x128xf32, #tpu.memory_space<hbm>>)
      tpu.yield
    }) : () -> ()
    return
  }
}

#map = affine_map<(d0, d1) -> (0, 0)>
#map1 = affine_map<(d0, d1) -> (0, 0, 0)>
module attributes {stable_mosaic.version = 14 : i64} {
  func.func @seg_kernel(%arg0: i32, %arg1: i32, %arg2: memref<10240x128xf32, #tpu.memory_space<hbm>>, %arg3: memref<32x79x128xi32, #tpu.memory_space<hbm>>, %arg4: memref<32x79x128xi32, #tpu.memory_space<hbm>>, %arg5: memref<10240x128xf32, #tpu.memory_space<hbm>>, %arg6: memref<2x10240x128xf32, #tpu.memory_space<hbm>>, %arg7: memref<79x128xi32, #tpu.memory_space<vmem>>, %arg8: memref<79x128xi32, #tpu.memory_space<vmem>>, %arg9: memref<128x128xf32, #tpu.memory_space<vmem>>, %arg10: memref<10240x128xf32, #tpu.memory_space<vmem_shared>>, %arg11: memref<!tpu.dma_semaphore, #tpu.memory_space<semaphore_mem>>) attributes {dimension_semantics = [#tpu.dimension_semantics<core_parallel>, #tpu.dimension_semantics<subcore_parallel>], iteration_bounds = array<i64: 2, 16>, scalar_prefetch = 0 : i64, scratch_operands = 5 : i64, tpu.core_type = #tpu.core_type<sc_vector_subcore>, window_params = [{transform_indices = #map}, {transform_indices = #map1}, {transform_indices = #map1}, {transform_indices = #map}, {transform_indices = #map1}]} {
    %mul3A = arith.constant 16 : i32
    %mul3A_0 = arith.muli %arg0, %mul3A : i32
    %add3A = arith.addi %mul3A_0, %arg1 : i32
    "tpu.region"() ({
      %run_scoped3A = tpu.sem_alloc : memref<!tpu.dma_semaphore, #tpu.memory_space<semaphore_mem>>
      %dma_start3A = arith.constant 0 : i32
      %dma_start3A_15 = arith.constant 0 : i32
      %dma_start3A_16 = tpu.memref_slice %arg3[%add3A, %dma_start3A, %dma_start3A_15] : memref<32x79x128xi32, #tpu.memory_space<hbm>> -> memref<1x79x128xi32, #tpu.memory_space<hbm>>
      %dma_start3A_17 = tpu.memref_squeeze %dma_start3A_16 : memref<1x79x128xi32, #tpu.memory_space<hbm>> -> memref<79x128xi32, #tpu.memory_space<hbm>>
      %dma_start3A_18 = arith.constant 0 : i32
      %dma_start3A_19 = arith.constant 0 : i32
      %dma_start3A_20 = tpu.memref_slice %arg3[%add3A, %dma_start3A_18, %dma_start3A_19] : memref<32x79x128xi32, #tpu.memory_space<hbm>> -> memref<1x79x128xi32, #tpu.memory_space<hbm>>
      %dma_start3A_21 = tpu.memref_squeeze %dma_start3A_20 : memref<1x79x128xi32, #tpu.memory_space<hbm>> -> memref<79x128xi32, #tpu.memory_space<hbm>>
      tpu.enqueue_dma source(%dma_start3A_21 : memref<79x128xi32, #tpu.memory_space<hbm>>) target(%arg7 : memref<79x128xi32, #tpu.memory_space<vmem>>) target_semaphore(%run_scoped3A : memref<!tpu.dma_semaphore, #tpu.memory_space<semaphore_mem>>)
      %dma_wait3A = arith.constant 0 : i32
      %dma_wait3A_22 = arith.constant 0 : i32
      %dma_wait3A_23 = tpu.memref_slice %arg3[%add3A, %dma_wait3A, %dma_wait3A_22] : memref<32x79x128xi32, #tpu.memory_space<hbm>> -> memref<1x79x128xi32, #tpu.memory_space<hbm>>
      %dma_wait3A_24 = tpu.memref_squeeze %dma_wait3A_23 : memref<1x79x128xi32, #tpu.memory_space<hbm>> -> memref<79x128xi32, #tpu.memory_space<hbm>>
      %dma_wait3A_25 = arith.constant 0 : i32
      %dma_wait3A_26 = arith.constant 0 : i32
      %dma_wait3A_27 = tpu.memref_slice %arg3[%add3A, %dma_wait3A_25, %dma_wait3A_26] : memref<32x79x128xi32, #tpu.memory_space<hbm>> -> memref<1x79x128xi32, #tpu.memory_space<hbm>>
      %dma_wait3A_28 = tpu.memref_squeeze %dma_wait3A_27 : memref<1x79x128xi32, #tpu.memory_space<hbm>> -> memref<79x128xi32, #tpu.memory_space<hbm>>
      tpu.wait_dma2 semaphore(%run_scoped3A : memref<!tpu.dma_semaphore, #tpu.memory_space<semaphore_mem>>) src(%dma_wait3A_28 : memref<79x128xi32, #tpu.memory_space<hbm>>) dst(%arg7 : memref<79x128xi32, #tpu.memory_space<vmem>>)
      tpu.yield
    }) : () -> ()
    "tpu.region"() ({
      %run_scoped3A = tpu.sem_alloc : memref<!tpu.dma_semaphore, #tpu.memory_space<semaphore_mem>>
      %dma_start3A = arith.constant 0 : i32
      %dma_start3A_15 = arith.constant 0 : i32
      %dma_start3A_16 = tpu.memref_slice %arg4[%add3A, %dma_start3A, %dma_start3A_15] : memref<32x79x128xi32, #tpu.memory_space<hbm>> -> memref<1x79x128xi32, #tpu.memory_space<hbm>>
      %dma_start3A_17 = tpu.memref_squeeze %dma_start3A_16 : memref<1x79x128xi32, #tpu.memory_space<hbm>> -> memref<79x128xi32, #tpu.memory_space<hbm>>
      %dma_start3A_18 = arith.constant 0 : i32
      %dma_start3A_19 = arith.constant 0 : i32
      %dma_start3A_20 = tpu.memref_slice %arg4[%add3A, %dma_start3A_18, %dma_start3A_19] : memref<32x79x128xi32, #tpu.memory_space<hbm>> -> memref<1x79x128xi32, #tpu.memory_space<hbm>>
      %dma_start3A_21 = tpu.memref_squeeze %dma_start3A_20 : memref<1x79x128xi32, #tpu.memory_space<hbm>> -> memref<79x128xi32, #tpu.memory_space<hbm>>
      tpu.enqueue_dma source(%dma_start3A_21 : memref<79x128xi32, #tpu.memory_space<hbm>>) target(%arg8 : memref<79x128xi32, #tpu.memory_space<vmem>>) target_semaphore(%run_scoped3A : memref<!tpu.dma_semaphore, #tpu.memory_space<semaphore_mem>>)
      %dma_wait3A = arith.constant 0 : i32
      %dma_wait3A_22 = arith.constant 0 : i32
      %dma_wait3A_23 = tpu.memref_slice %arg4[%add3A, %dma_wait3A, %dma_wait3A_22] : memref<32x79x128xi32, #tpu.memory_space<hbm>> -> memref<1x79x128xi32, #tpu.memory_space<hbm>>
      %dma_wait3A_24 = tpu.memref_squeeze %dma_wait3A_23 : memref<1x79x128xi32, #tpu.memory_space<hbm>> -> memref<79x128xi32, #tpu.memory_space<hbm>>
      %dma_wait3A_25 = arith.constant 0 : i32
      %dma_wait3A_26 = arith.constant 0 : i32
      %dma_wait3A_27 = tpu.memref_slice %arg4[%add3A, %dma_wait3A_25, %dma_wait3A_26] : memref<32x79x128xi32, #tpu.memory_space<hbm>> -> memref<1x79x128xi32, #tpu.memory_space<hbm>>
      %dma_wait3A_28 = tpu.memref_squeeze %dma_wait3A_27 : memref<1x79x128xi32, #tpu.memory_space<hbm>> -> memref<79x128xi32, #tpu.memory_space<hbm>>
      tpu.wait_dma2 semaphore(%run_scoped3A : memref<!tpu.dma_semaphore, #tpu.memory_space<semaphore_mem>>) src(%dma_wait3A_28 : memref<79x128xi32, #tpu.memory_space<hbm>>) dst(%arg8 : memref<79x128xi32, #tpu.memory_space<vmem>>)
      tpu.yield
    }) : () -> ()
    %mul3A_1 = arith.constant 640 : i32
    %mul3A_2 = arith.muli %arg1, %mul3A_1 : i32
    %mul3A_3 = arith.constant 640 : i32
    %mul3A_4 = arith.muli %arg1, %mul3A_3 : i32
    "tpu.region"() ({
      %run_scoped3A = tpu.sem_alloc : memref<!tpu.dma_semaphore, #tpu.memory_space<semaphore_mem>>
      %dma_start3A = arith.constant 0 : i32
      %dma_start3A_15 = tpu.memref_slice %arg10[%mul3A_4, %dma_start3A] : memref<10240x128xf32, #tpu.memory_space<vmem_shared>> -> memref<640x128xf32, #tpu.memory_space<vmem_shared>>
      %dma_start3A_16 = arith.constant 0 : i32
      %dma_start3A_17 = tpu.memref_slice %arg5[%mul3A_2, %dma_start3A_16] : memref<10240x128xf32, #tpu.memory_space<hbm>> -> memref<640x128xf32, #tpu.memory_space<hbm>>
      tpu.enqueue_dma source(%dma_start3A_17 : memref<640x128xf32, #tpu.memory_space<hbm>>) target(%dma_start3A_15 : memref<640x128xf32, #tpu.memory_space<vmem_shared>>) target_semaphore(%run_scoped3A : memref<!tpu.dma_semaphore, #tpu.memory_space<semaphore_mem>>)
      %dma_wait3A = arith.constant 0 : i32
      %dma_wait3A_18 = tpu.memref_slice %arg10[%mul3A_4, %dma_wait3A] : memref<10240x128xf32, #tpu.memory_space<vmem_shared>> -> memref<640x128xf32, #tpu.memory_space<vmem_shared>>
      %dma_wait3A_19 = arith.constant 0 : i32
      %dma_wait3A_20 = tpu.memref_slice %arg5[%mul3A_2, %dma_wait3A_19] : memref<10240x128xf32, #tpu.memory_space<hbm>> -> memref<640x128xf32, #tpu.memory_space<hbm>>
      tpu.wait_dma2 semaphore(%run_scoped3A : memref<!tpu.dma_semaphore, #tpu.memory_space<semaphore_mem>>) src(%dma_wait3A_20 : memref<640x128xf32, #tpu.memory_space<hbm>>) dst(%dma_wait3A_18 : memref<640x128xf32, #tpu.memory_space<vmem_shared>>)
      tpu.yield
    }) : () -> ()
    %barrier3A = arith.constant 0 : index
    tpu.barrier barrier_id(%barrier3A)
    %scan3A = arith.constant 0 : i32
    %scan3A_5 = arith.constant 0 : i32
    %scan3A_6 = arith.constant 79 : i32
    %scan3A_7 = arith.addi %scan3A_5, %scan3A_6 : i32
    %scan3A_8 = arith.constant 1 : i32
    scf.for %scan3A_15 = %scan3A_5 to %scan3A_7 step %scan3A_8  : i32 {
      %dma_start3A = arith.constant 0 : i32
      %dma_start3A_16 = tpu.memref_slice %arg7[%scan3A_15, %dma_start3A] : memref<79x128xi32, #tpu.memory_space<vmem>> -> memref<1x128xi32, #tpu.memory_space<vmem>>
      %dma_start3A_17 = tpu.memref_squeeze %dma_start3A_16 : memref<1x128xi32, #tpu.memory_space<vmem>> -> memref<128xi32, #tpu.memory_space<vmem>>
      %dma_start3A_18 = arith.constant 0 : i32
      %dma_start3A_19 = arith.constant 0 : i32
      %dma_start3A_20 = tpu.memref_slice %arg2[%dma_start3A_18, %dma_start3A_19] : memref<10240x128xf32, #tpu.memory_space<hbm>> -> memref<10240x128xf32, #tpu.memory_space<hbm>>
      tpu.enqueue_indirect_dma source(%dma_start3A_20 : memref<10240x128xf32, #tpu.memory_space<hbm>>) target(%arg9 : memref<128x128xf32, #tpu.memory_space<vmem>>) offsets(%dma_start3A_17 : memref<128xi32, #tpu.memory_space<vmem>>) semaphore(%arg11 : memref<!tpu.dma_semaphore, #tpu.memory_space<semaphore_mem>>)
      %dma_wait3A = arith.constant 0 : i32
      %dma_wait3A_21 = tpu.memref_slice %arg7[%scan3A_15, %dma_wait3A] : memref<79x128xi32, #tpu.memory_space<vmem>> -> memref<1x128xi32, #tpu.memory_space<vmem>>
      %dma_wait3A_22 = tpu.memref_squeeze %dma_wait3A_21 : memref<1x128xi32, #tpu.memory_space<vmem>> -> memref<128xi32, #tpu.memory_space<vmem>>
      %dma_wait3A_23 = arith.constant 0 : i32
      %dma_wait3A_24 = arith.constant 0 : i32
      %dma_wait3A_25 = tpu.memref_slice %arg2[%dma_wait3A_23, %dma_wait3A_24] : memref<10240x128xf32, #tpu.memory_space<hbm>> -> memref<10240x128xf32, #tpu.memory_space<hbm>>
      tpu.wait_indirect_dma semaphore(%arg11 : memref<!tpu.dma_semaphore, #tpu.memory_space<semaphore_mem>>) src(%dma_wait3A_25 : memref<10240x128xf32, #tpu.memory_space<hbm>>) dst(%arg9 : memref<128x128xf32, #tpu.memory_space<vmem>>)
      "tpu.region"() ({
        %run_scoped3A = tpu.sem_alloc : memref<!tpu.dma_semaphore, #tpu.memory_space<semaphore_mem>>
        %dma_start3A_26 = arith.constant 0 : i32
        %dma_start3A_27 = tpu.memref_slice %arg8[%scan3A_15, %dma_start3A_26] : memref<79x128xi32, #tpu.memory_space<vmem>> -> memref<1x128xi32, #tpu.memory_space<vmem>>
        %dma_start3A_28 = tpu.memref_squeeze %dma_start3A_27 : memref<1x128xi32, #tpu.memory_space<vmem>> -> memref<128xi32, #tpu.memory_space<vmem>>
        %dma_start3A_29 = arith.constant 0 : i32
        %dma_start3A_30 = arith.constant 0 : i32
        %dma_start3A_31 = tpu.memref_slice %arg10[%dma_start3A_29, %dma_start3A_30] : memref<10240x128xf32, #tpu.memory_space<vmem_shared>> -> memref<10240x128xf32, #tpu.memory_space<vmem_shared>>
        tpu.enqueue_indirect_dma source(%arg9 : memref<128x128xf32, #tpu.memory_space<vmem>>) target(%dma_start3A_31 : memref<10240x128xf32, #tpu.memory_space<vmem_shared>>) offsets(%dma_start3A_28 : memref<128xi32, #tpu.memory_space<vmem>>) semaphore(%run_scoped3A : memref<!tpu.dma_semaphore, #tpu.memory_space<semaphore_mem>>) {add = true}
        %dma_wait3A_32 = arith.constant 0 : i32
        %dma_wait3A_33 = tpu.memref_slice %arg8[%scan3A_15, %dma_wait3A_32] : memref<79x128xi32, #tpu.memory_space<vmem>> -> memref<1x128xi32, #tpu.memory_space<vmem>>
        %dma_wait3A_34 = tpu.memref_squeeze %dma_wait3A_33 : memref<1x128xi32, #tpu.memory_space<vmem>> -> memref<128xi32, #tpu.memory_space<vmem>>
        %dma_wait3A_35 = arith.constant 0 : i32
        %dma_wait3A_36 = arith.constant 0 : i32
        %dma_wait3A_37 = tpu.memref_slice %arg10[%dma_wait3A_35, %dma_wait3A_36] : memref<10240x128xf32, #tpu.memory_space<vmem_shared>> -> memref<10240x128xf32, #tpu.memory_space<vmem_shared>>
        tpu.wait_indirect_dma semaphore(%run_scoped3A : memref<!tpu.dma_semaphore, #tpu.memory_space<semaphore_mem>>) src(%arg9 : memref<128x128xf32, #tpu.memory_space<vmem>>) dst(%dma_wait3A_37 : memref<10240x128xf32, #tpu.memory_space<vmem_shared>>)
        tpu.yield
      }) : () -> ()
    }
    %scan3A_9 = arith.constant 79 : i32
    %barrier3A_10 = arith.constant 0 : index
    tpu.barrier barrier_id(%barrier3A_10)
    %mul3A_11 = arith.constant 640 : i32
    %mul3A_12 = arith.muli %arg1, %mul3A_11 : i32
    %mul3A_13 = arith.constant 640 : i32
    %mul3A_14 = arith.muli %arg1, %mul3A_13 : i32
    "tpu.region"() ({
      %run_scoped3A = tpu.sem_alloc : memref<!tpu.dma_semaphore, #tpu.memory_space<semaphore_mem>>
      %dma_start3A = arith.constant 0 : i32
      %dma_start3A_15 = tpu.memref_slice %arg6[%arg0, %mul3A_14, %dma_start3A] : memref<2x10240x128xf32, #tpu.memory_space<hbm>> -> memref<1x640x128xf32, #tpu.memory_space<hbm>>
      %dma_start3A_16 = tpu.memref_squeeze %dma_start3A_15 : memref<1x640x128xf32, #tpu.memory_space<hbm>> -> memref<640x128xf32, #tpu.memory_space<hbm>>
      %dma_start3A_17 = arith.constant 0 : i32
      %dma_start3A_18 = tpu.memref_slice %arg10[%mul3A_12, %dma_start3A_17] : memref<10240x128xf32, #tpu.memory_space<vmem_shared>> -> memref<640x128xf32, #tpu.memory_space<vmem_shared>>
      tpu.enqueue_dma source(%dma_start3A_18 : memref<640x128xf32, #tpu.memory_space<vmem_shared>>) target(%dma_start3A_16 : memref<640x128xf32, #tpu.memory_space<hbm>>) target_semaphore(%run_scoped3A : memref<!tpu.dma_semaphore, #tpu.memory_space<semaphore_mem>>)
      %dma_wait3A = arith.constant 0 : i32
      %dma_wait3A_19 = tpu.memref_slice %arg6[%arg0, %mul3A_14, %dma_wait3A] : memref<2x10240x128xf32, #tpu.memory_space<hbm>> -> memref<1x640x128xf32, #tpu.memory_space<hbm>>
      %dma_wait3A_20 = tpu.memref_squeeze %dma_wait3A_19 : memref<1x640x128xf32, #tpu.memory_space<hbm>> -> memref<640x128xf32, #tpu.memory_space<hbm>>
      %dma_wait3A_21 = arith.constant 0 : i32
      %dma_wait3A_22 = tpu.memref_slice %arg10[%mul3A_12, %dma_wait3A_21] : memref<10240x128xf32, #tpu.memory_space<vmem_shared>> -> memref<640x128xf32, #tpu.memory_space<vmem_shared>>
      tpu.wait_dma2 semaphore(%run_scoped3A : memref<!tpu.dma_semaphore, #tpu.memory_space<semaphore_mem>>) src(%dma_wait3A_22 : memref<640x128xf32, #tpu.memory_space<vmem_shared>>) dst(%dma_wait3A_20 : memref<640x128xf32, #tpu.memory_space<hbm>>)
      tpu.yield
    }) : () -> ()
    return
  }
}

#map = affine_map<(d0, d1) -> (0, 0)>
#map1 = affine_map<(d0, d1) -> (0, 0, 0)>
module attributes {stable_mosaic.version = 14 : i64} {
  func.func @seg_kernel(%arg0: i32, %arg1: i32, %arg2: memref<10240x128xf32, #tpu.memory_space<hbm>>, %arg3: memref<32x79x128xi32, #tpu.memory_space<hbm>>, %arg4: memref<32x79x128xi32, #tpu.memory_space<hbm>>, %arg5: memref<10240x128xf32, #tpu.memory_space<hbm>>, %arg6: memref<2x10240x128xf32, #tpu.memory_space<hbm>>, %arg7: memref<79x128xi32, #tpu.memory_space<vmem>>, %arg8: memref<79x128xi32, #tpu.memory_space<vmem>>, %arg9: memref<128x128xf32, #tpu.memory_space<vmem>>, %arg10: memref<10240x128xf32, #tpu.memory_space<vmem_shared>>, %arg11: memref<!tpu.dma_semaphore, #tpu.memory_space<semaphore_mem>>) attributes {dimension_semantics = [#tpu.dimension_semantics<core_parallel>, #tpu.dimension_semantics<subcore_parallel>], iteration_bounds = array<i64: 2, 16>, scalar_prefetch = 0 : i64, scratch_operands = 5 : i64, tpu.core_type = #tpu.core_type<sc_vector_subcore>, window_params = [{transform_indices = #map}, {transform_indices = #map1}, {transform_indices = #map1}, {transform_indices = #map}, {transform_indices = #map1}]} {
    %mul3A = arith.constant 16 : i32
    %mul3A_0 = arith.muli %arg0, %mul3A : i32
    %add3A = arith.addi %mul3A_0, %arg1 : i32
    "tpu.region"() ({
      %run_scoped3A = tpu.sem_alloc : memref<!tpu.dma_semaphore, #tpu.memory_space<semaphore_mem>>
      %dma_start3A = arith.constant 0 : i32
      %dma_start3A_15 = arith.constant 0 : i32
      %dma_start3A_16 = tpu.memref_slice %arg3[%add3A, %dma_start3A, %dma_start3A_15] : memref<32x79x128xi32, #tpu.memory_space<hbm>> -> memref<1x79x128xi32, #tpu.memory_space<hbm>>
      %dma_start3A_17 = tpu.memref_squeeze %dma_start3A_16 : memref<1x79x128xi32, #tpu.memory_space<hbm>> -> memref<79x128xi32, #tpu.memory_space<hbm>>
      %dma_start3A_18 = arith.constant 0 : i32
      %dma_start3A_19 = arith.constant 0 : i32
      %dma_start3A_20 = tpu.memref_slice %arg3[%add3A, %dma_start3A_18, %dma_start3A_19] : memref<32x79x128xi32, #tpu.memory_space<hbm>> -> memref<1x79x128xi32, #tpu.memory_space<hbm>>
      %dma_start3A_21 = tpu.memref_squeeze %dma_start3A_20 : memref<1x79x128xi32, #tpu.memory_space<hbm>> -> memref<79x128xi32, #tpu.memory_space<hbm>>
      tpu.enqueue_dma source(%dma_start3A_21 : memref<79x128xi32, #tpu.memory_space<hbm>>) target(%arg7 : memref<79x128xi32, #tpu.memory_space<vmem>>) target_semaphore(%run_scoped3A : memref<!tpu.dma_semaphore, #tpu.memory_space<semaphore_mem>>)
      %dma_wait3A = arith.constant 0 : i32
      %dma_wait3A_22 = arith.constant 0 : i32
      %dma_wait3A_23 = tpu.memref_slice %arg3[%add3A, %dma_wait3A, %dma_wait3A_22] : memref<32x79x128xi32, #tpu.memory_space<hbm>> -> memref<1x79x128xi32, #tpu.memory_space<hbm>>
      %dma_wait3A_24 = tpu.memref_squeeze %dma_wait3A_23 : memref<1x79x128xi32, #tpu.memory_space<hbm>> -> memref<79x128xi32, #tpu.memory_space<hbm>>
      %dma_wait3A_25 = arith.constant 0 : i32
      %dma_wait3A_26 = arith.constant 0 : i32
      %dma_wait3A_27 = tpu.memref_slice %arg3[%add3A, %dma_wait3A_25, %dma_wait3A_26] : memref<32x79x128xi32, #tpu.memory_space<hbm>> -> memref<1x79x128xi32, #tpu.memory_space<hbm>>
      %dma_wait3A_28 = tpu.memref_squeeze %dma_wait3A_27 : memref<1x79x128xi32, #tpu.memory_space<hbm>> -> memref<79x128xi32, #tpu.memory_space<hbm>>
      tpu.wait_dma2 semaphore(%run_scoped3A : memref<!tpu.dma_semaphore, #tpu.memory_space<semaphore_mem>>) src(%dma_wait3A_28 : memref<79x128xi32, #tpu.memory_space<hbm>>) dst(%arg7 : memref<79x128xi32, #tpu.memory_space<vmem>>)
      tpu.yield
    }) : () -> ()
    "tpu.region"() ({
      %run_scoped3A = tpu.sem_alloc : memref<!tpu.dma_semaphore, #tpu.memory_space<semaphore_mem>>
      %dma_start3A = arith.constant 0 : i32
      %dma_start3A_15 = arith.constant 0 : i32
      %dma_start3A_16 = tpu.memref_slice %arg4[%add3A, %dma_start3A, %dma_start3A_15] : memref<32x79x128xi32, #tpu.memory_space<hbm>> -> memref<1x79x128xi32, #tpu.memory_space<hbm>>
      %dma_start3A_17 = tpu.memref_squeeze %dma_start3A_16 : memref<1x79x128xi32, #tpu.memory_space<hbm>> -> memref<79x128xi32, #tpu.memory_space<hbm>>
      %dma_start3A_18 = arith.constant 0 : i32
      %dma_start3A_19 = arith.constant 0 : i32
      %dma_start3A_20 = tpu.memref_slice %arg4[%add3A, %dma_start3A_18, %dma_start3A_19] : memref<32x79x128xi32, #tpu.memory_space<hbm>> -> memref<1x79x128xi32, #tpu.memory_space<hbm>>
      %dma_start3A_21 = tpu.memref_squeeze %dma_start3A_20 : memref<1x79x128xi32, #tpu.memory_space<hbm>> -> memref<79x128xi32, #tpu.memory_space<hbm>>
      tpu.enqueue_dma source(%dma_start3A_21 : memref<79x128xi32, #tpu.memory_space<hbm>>) target(%arg8 : memref<79x128xi32, #tpu.memory_space<vmem>>) target_semaphore(%run_scoped3A : memref<!tpu.dma_semaphore, #tpu.memory_space<semaphore_mem>>)
      %dma_wait3A = arith.constant 0 : i32
      %dma_wait3A_22 = arith.constant 0 : i32
      %dma_wait3A_23 = tpu.memref_slice %arg4[%add3A, %dma_wait3A, %dma_wait3A_22] : memref<32x79x128xi32, #tpu.memory_space<hbm>> -> memref<1x79x128xi32, #tpu.memory_space<hbm>>
      %dma_wait3A_24 = tpu.memref_squeeze %dma_wait3A_23 : memref<1x79x128xi32, #tpu.memory_space<hbm>> -> memref<79x128xi32, #tpu.memory_space<hbm>>
      %dma_wait3A_25 = arith.constant 0 : i32
      %dma_wait3A_26 = arith.constant 0 : i32
      %dma_wait3A_27 = tpu.memref_slice %arg4[%add3A, %dma_wait3A_25, %dma_wait3A_26] : memref<32x79x128xi32, #tpu.memory_space<hbm>> -> memref<1x79x128xi32, #tpu.memory_space<hbm>>
      %dma_wait3A_28 = tpu.memref_squeeze %dma_wait3A_27 : memref<1x79x128xi32, #tpu.memory_space<hbm>> -> memref<79x128xi32, #tpu.memory_space<hbm>>
      tpu.wait_dma2 semaphore(%run_scoped3A : memref<!tpu.dma_semaphore, #tpu.memory_space<semaphore_mem>>) src(%dma_wait3A_28 : memref<79x128xi32, #tpu.memory_space<hbm>>) dst(%arg8 : memref<79x128xi32, #tpu.memory_space<vmem>>)
      tpu.yield
    }) : () -> ()
    %mul3A_1 = arith.constant 640 : i32
    %mul3A_2 = arith.muli %arg1, %mul3A_1 : i32
    %mul3A_3 = arith.constant 640 : i32
    %mul3A_4 = arith.muli %arg1, %mul3A_3 : i32
    "tpu.region"() ({
      %run_scoped3A = tpu.sem_alloc : memref<!tpu.dma_semaphore, #tpu.memory_space<semaphore_mem>>
      %dma_start3A = arith.constant 0 : i32
      %dma_start3A_15 = tpu.memref_slice %arg10[%mul3A_4, %dma_start3A] : memref<10240x128xf32, #tpu.memory_space<vmem_shared>> -> memref<640x128xf32, #tpu.memory_space<vmem_shared>>
      %dma_start3A_16 = arith.constant 0 : i32
      %dma_start3A_17 = tpu.memref_slice %arg5[%mul3A_2, %dma_start3A_16] : memref<10240x128xf32, #tpu.memory_space<hbm>> -> memref<640x128xf32, #tpu.memory_space<hbm>>
      tpu.enqueue_dma source(%dma_start3A_17 : memref<640x128xf32, #tpu.memory_space<hbm>>) target(%dma_start3A_15 : memref<640x128xf32, #tpu.memory_space<vmem_shared>>) target_semaphore(%run_scoped3A : memref<!tpu.dma_semaphore, #tpu.memory_space<semaphore_mem>>)
      %dma_wait3A = arith.constant 0 : i32
      %dma_wait3A_18 = tpu.memref_slice %arg10[%mul3A_4, %dma_wait3A] : memref<10240x128xf32, #tpu.memory_space<vmem_shared>> -> memref<640x128xf32, #tpu.memory_space<vmem_shared>>
      %dma_wait3A_19 = arith.constant 0 : i32
      %dma_wait3A_20 = tpu.memref_slice %arg5[%mul3A_2, %dma_wait3A_19] : memref<10240x128xf32, #tpu.memory_space<hbm>> -> memref<640x128xf32, #tpu.memory_space<hbm>>
      tpu.wait_dma2 semaphore(%run_scoped3A : memref<!tpu.dma_semaphore, #tpu.memory_space<semaphore_mem>>) src(%dma_wait3A_20 : memref<640x128xf32, #tpu.memory_space<hbm>>) dst(%dma_wait3A_18 : memref<640x128xf32, #tpu.memory_space<vmem_shared>>)
      tpu.yield
    }) : () -> ()
    %barrier3A = arith.constant 0 : index
    tpu.barrier barrier_id(%barrier3A)
    %scan3A = arith.constant 0 : i32
    %scan3A_5 = arith.constant 0 : i32
    %scan3A_6 = arith.constant 79 : i32
    %scan3A_7 = arith.addi %scan3A_5, %scan3A_6 : i32
    %scan3A_8 = arith.constant 1 : i32
    scf.for %scan3A_15 = %scan3A_5 to %scan3A_7 step %scan3A_8  : i32 {
      %dma_start3A = arith.constant 0 : i32
      %dma_start3A_16 = tpu.memref_slice %arg7[%scan3A_15, %dma_start3A] : memref<79x128xi32, #tpu.memory_space<vmem>> -> memref<1x128xi32, #tpu.memory_space<vmem>>
      %dma_start3A_17 = tpu.memref_squeeze %dma_start3A_16 : memref<1x128xi32, #tpu.memory_space<vmem>> -> memref<128xi32, #tpu.memory_space<vmem>>
      %dma_start3A_18 = arith.constant 0 : i32
      %dma_start3A_19 = arith.constant 0 : i32
      %dma_start3A_20 = tpu.memref_slice %arg2[%dma_start3A_18, %dma_start3A_19] : memref<10240x128xf32, #tpu.memory_space<hbm>> -> memref<10240x128xf32, #tpu.memory_space<hbm>>
      tpu.enqueue_indirect_dma source(%dma_start3A_20 : memref<10240x128xf32, #tpu.memory_space<hbm>>) target(%arg9 : memref<128x128xf32, #tpu.memory_space<vmem>>) offsets(%dma_start3A_17 : memref<128xi32, #tpu.memory_space<vmem>>) semaphore(%arg11 : memref<!tpu.dma_semaphore, #tpu.memory_space<semaphore_mem>>)
      %dma_wait3A = arith.constant 0 : i32
      %dma_wait3A_21 = tpu.memref_slice %arg7[%scan3A_15, %dma_wait3A] : memref<79x128xi32, #tpu.memory_space<vmem>> -> memref<1x128xi32, #tpu.memory_space<vmem>>
      %dma_wait3A_22 = tpu.memref_squeeze %dma_wait3A_21 : memref<1x128xi32, #tpu.memory_space<vmem>> -> memref<128xi32, #tpu.memory_space<vmem>>
      %dma_wait3A_23 = arith.constant 0 : i32
      %dma_wait3A_24 = arith.constant 0 : i32
      %dma_wait3A_25 = tpu.memref_slice %arg2[%dma_wait3A_23, %dma_wait3A_24] : memref<10240x128xf32, #tpu.memory_space<hbm>> -> memref<10240x128xf32, #tpu.memory_space<hbm>>
      tpu.wait_indirect_dma semaphore(%arg11 : memref<!tpu.dma_semaphore, #tpu.memory_space<semaphore_mem>>) src(%dma_wait3A_25 : memref<10240x128xf32, #tpu.memory_space<hbm>>) dst(%arg9 : memref<128x128xf32, #tpu.memory_space<vmem>>)
      "tpu.region"() ({
        %run_scoped3A = tpu.sem_alloc : memref<!tpu.dma_semaphore, #tpu.memory_space<semaphore_mem>>
        %dma_start3A_26 = arith.constant 0 : i32
        %dma_start3A_27 = tpu.memref_slice %arg8[%scan3A_15, %dma_start3A_26] : memref<79x128xi32, #tpu.memory_space<vmem>> -> memref<1x128xi32, #tpu.memory_space<vmem>>
        %dma_start3A_28 = tpu.memref_squeeze %dma_start3A_27 : memref<1x128xi32, #tpu.memory_space<vmem>> -> memref<128xi32, #tpu.memory_space<vmem>>
        %dma_start3A_29 = arith.constant 0 : i32
        %dma_start3A_30 = arith.constant 0 : i32
        %dma_start3A_31 = tpu.memref_slice %arg10[%dma_start3A_29, %dma_start3A_30] : memref<10240x128xf32, #tpu.memory_space<vmem_shared>> -> memref<10240x128xf32, #tpu.memory_space<vmem_shared>>
        tpu.enqueue_indirect_dma source(%arg9 : memref<128x128xf32, #tpu.memory_space<vmem>>) target(%dma_start3A_31 : memref<10240x128xf32, #tpu.memory_space<vmem_shared>>) offsets(%dma_start3A_28 : memref<128xi32, #tpu.memory_space<vmem>>) semaphore(%run_scoped3A : memref<!tpu.dma_semaphore, #tpu.memory_space<semaphore_mem>>) {add = true}
        %dma_wait3A_32 = arith.constant 0 : i32
        %dma_wait3A_33 = tpu.memref_slice %arg8[%scan3A_15, %dma_wait3A_32] : memref<79x128xi32, #tpu.memory_space<vmem>> -> memref<1x128xi32, #tpu.memory_space<vmem>>
        %dma_wait3A_34 = tpu.memref_squeeze %dma_wait3A_33 : memref<1x128xi32, #tpu.memory_space<vmem>> -> memref<128xi32, #tpu.memory_space<vmem>>
        %dma_wait3A_35 = arith.constant 0 : i32
        %dma_wait3A_36 = arith.constant 0 : i32
        %dma_wait3A_37 = tpu.memref_slice %arg10[%dma_wait3A_35, %dma_wait3A_36] : memref<10240x128xf32, #tpu.memory_space<vmem_shared>> -> memref<10240x128xf32, #tpu.memory_space<vmem_shared>>
        tpu.wait_indirect_dma semaphore(%run_scoped3A : memref<!tpu.dma_semaphore, #tpu.memory_space<semaphore_mem>>) src(%arg9 : memref<128x128xf32, #tpu.memory_space<vmem>>) dst(%dma_wait3A_37 : memref<10240x128xf32, #tpu.memory_space<vmem_shared>>)
        tpu.yield
      }) : () -> ()
    }
    %scan3A_9 = arith.constant 79 : i32
    %barrier3A_10 = arith.constant 0 : index
    tpu.barrier barrier_id(%barrier3A_10)
    %mul3A_11 = arith.constant 640 : i32
    %mul3A_12 = arith.muli %arg1, %mul3A_11 : i32
    %mul3A_13 = arith.constant 640 : i32
    %mul3A_14 = arith.muli %arg1, %mul3A_13 : i32
    "tpu.region"() ({
      %run_scoped3A = tpu.sem_alloc : memref<!tpu.dma_semaphore, #tpu.memory_space<semaphore_mem>>
      %dma_start3A = arith.constant 0 : i32
      %dma_start3A_15 = tpu.memref_slice %arg6[%arg0, %mul3A_14, %dma_start3A] : memref<2x10240x128xf32, #tpu.memory_space<hbm>> -> memref<1x640x128xf32, #tpu.memory_space<hbm>>
      %dma_start3A_16 = tpu.memref_squeeze %dma_start3A_15 : memref<1x640x128xf32, #tpu.memory_space<hbm>> -> memref<640x128xf32, #tpu.memory_space<hbm>>
      %dma_start3A_17 = arith.constant 0 : i32
      %dma_start3A_18 = tpu.memref_slice %arg10[%mul3A_12, %dma_start3A_17] : memref<10240x128xf32, #tpu.memory_space<vmem_shared>> -> memref<640x128xf32, #tpu.memory_space<vmem_shared>>
      tpu.enqueue_dma source(%dma_start3A_18 : memref<640x128xf32, #tpu.memory_space<vmem_shared>>) target(%dma_start3A_16 : memref<640x128xf32, #tpu.memory_space<hbm>>) target_semaphore(%run_scoped3A : memref<!tpu.dma_semaphore, #tpu.memory_space<semaphore_mem>>)
      %dma_wait3A = arith.constant 0 : i32
      %dma_wait3A_19 = tpu.memref_slice %arg6[%arg0, %mul3A_14, %dma_wait3A] : memref<2x10240x128xf32, #tpu.memory_space<hbm>> -> memref<1x640x128xf32, #tpu.memory_space<hbm>>
      %dma_wait3A_20 = tpu.memref_squeeze %dma_wait3A_19 : memref<1x640x128xf32, #tpu.memory_space<hbm>> -> memref<640x128xf32, #tpu.memory_space<hbm>>
      %dma_wait3A_21 = arith.constant 0 : i32
      %dma_wait3A_22 = tpu.memref_slice %arg10[%mul3A_12, %dma_wait3A_21] : memref<10240x128xf32, #tpu.memory_space<vmem_shared>> -> memref<640x128xf32, #tpu.memory_space<vmem_shared>>
      tpu.wait_dma2 semaphore(%run_scoped3A : memref<!tpu.dma_semaphore, #tpu.memory_space<semaphore_mem>>) src(%dma_wait3A_22 : memref<640x128xf32, #tpu.memory_space<vmem_shared>>) dst(%dma_wait3A_20 : memref<640x128xf32, #tpu.memory_space<hbm>>)
      tpu.yield
    }) : () -> ()
    return
  }
}

#map = affine_map<(d0, d1) -> (0, 0)>
#map1 = affine_map<(d0, d1) -> (0, 0, 0)>
module attributes {stable_mosaic.version = 14 : i64} {
  func.func @ga_kernel(%arg0: i32, %arg1: i32, %arg2: memref<10240x128xf32, #tpu.memory_space<hbm>>, %arg3: memref<10240x128xf32, #tpu.memory_space<hbm>>, %arg4: memref<32x79x128xi32, #tpu.memory_space<hbm>>, %arg5: memref<32x79x128xi32, #tpu.memory_space<hbm>>, %arg6: memref<323584x128xf32, #tpu.memory_space<hbm>>, %arg7: memref<79x128xi32, #tpu.memory_space<vmem>>, %arg8: memref<79x128xi32, #tpu.memory_space<vmem>>, %arg9: memref<128x128xf32, #tpu.memory_space<vmem>>, %arg10: memref<128x128xf32, #tpu.memory_space<vmem>>, %arg11: memref<!tpu.dma_semaphore, #tpu.memory_space<semaphore_mem>>, %arg12: memref<!tpu.dma_semaphore, #tpu.memory_space<semaphore_mem>>) attributes {dimension_semantics = [#tpu.dimension_semantics<core_parallel>, #tpu.dimension_semantics<subcore_parallel>], iteration_bounds = array<i64: 2, 16>, scalar_prefetch = 0 : i64, scratch_operands = 6 : i64, tpu.core_type = #tpu.core_type<sc_vector_subcore>, window_params = [{transform_indices = #map}, {transform_indices = #map}, {transform_indices = #map1}, {transform_indices = #map1}, {transform_indices = #map}]} {
    %mul3A = arith.constant 16 : i32
    %mul3A_0 = arith.muli %arg0, %mul3A : i32
    %add3A = arith.addi %mul3A_0, %arg1 : i32
    "tpu.region"() ({
      %run_scoped3A = tpu.sem_alloc : memref<!tpu.dma_semaphore, #tpu.memory_space<semaphore_mem>>
      %dma_start3A = arith.constant 0 : i32
      %dma_start3A_6 = arith.constant 0 : i32
      %dma_start3A_7 = tpu.memref_slice %arg4[%add3A, %dma_start3A, %dma_start3A_6] : memref<32x79x128xi32, #tpu.memory_space<hbm>> -> memref<1x79x128xi32, #tpu.memory_space<hbm>>
      %dma_start3A_8 = tpu.memref_squeeze %dma_start3A_7 : memref<1x79x128xi32, #tpu.memory_space<hbm>> -> memref<79x128xi32, #tpu.memory_space<hbm>>
      %dma_start3A_9 = arith.constant 0 : i32
      %dma_start3A_10 = arith.constant 0 : i32
      %dma_start3A_11 = tpu.memref_slice %arg4[%add3A, %dma_start3A_9, %dma_start3A_10] : memref<32x79x128xi32, #tpu.memory_space<hbm>> -> memref<1x79x128xi32, #tpu.memory_space<hbm>>
      %dma_start3A_12 = tpu.memref_squeeze %dma_start3A_11 : memref<1x79x128xi32, #tpu.memory_space<hbm>> -> memref<79x128xi32, #tpu.memory_space<hbm>>
      tpu.enqueue_dma source(%dma_start3A_12 : memref<79x128xi32, #tpu.memory_space<hbm>>) target(%arg7 : memref<79x128xi32, #tpu.memory_space<vmem>>) target_semaphore(%run_scoped3A : memref<!tpu.dma_semaphore, #tpu.memory_space<semaphore_mem>>)
      %dma_wait3A = arith.constant 0 : i32
      %dma_wait3A_13 = arith.constant 0 : i32
      %dma_wait3A_14 = tpu.memref_slice %arg4[%add3A, %dma_wait3A, %dma_wait3A_13] : memref<32x79x128xi32, #tpu.memory_space<hbm>> -> memref<1x79x128xi32, #tpu.memory_space<hbm>>
      %dma_wait3A_15 = tpu.memref_squeeze %dma_wait3A_14 : memref<1x79x128xi32, #tpu.memory_space<hbm>> -> memref<79x128xi32, #tpu.memory_space<hbm>>
      %dma_wait3A_16 = arith.constant 0 : i32
      %dma_wait3A_17 = arith.constant 0 : i32
      %dma_wait3A_18 = tpu.memref_slice %arg4[%add3A, %dma_wait3A_16, %dma_wait3A_17] : memref<32x79x128xi32, #tpu.memory_space<hbm>> -> memref<1x79x128xi32, #tpu.memory_space<hbm>>
      %dma_wait3A_19 = tpu.memref_squeeze %dma_wait3A_18 : memref<1x79x128xi32, #tpu.memory_space<hbm>> -> memref<79x128xi32, #tpu.memory_space<hbm>>
      tpu.wait_dma2 semaphore(%run_scoped3A : memref<!tpu.dma_semaphore, #tpu.memory_space<semaphore_mem>>) src(%dma_wait3A_19 : memref<79x128xi32, #tpu.memory_space<hbm>>) dst(%arg7 : memref<79x128xi32, #tpu.memory_space<vmem>>)
      tpu.yield
    }) : () -> ()
    "tpu.region"() ({
      %run_scoped3A = tpu.sem_alloc : memref<!tpu.dma_semaphore, #tpu.memory_space<semaphore_mem>>
      %dma_start3A = arith.constant 0 : i32
      %dma_start3A_6 = arith.constant 0 : i32
      %dma_start3A_7 = tpu.memref_slice %arg5[%add3A, %dma_start3A, %dma_start3A_6] : memref<32x79x128xi32, #tpu.memory_space<hbm>> -> memref<1x79x128xi32, #tpu.memory_space<hbm>>
      %dma_start3A_8 = tpu.memref_squeeze %dma_start3A_7 : memref<1x79x128xi32, #tpu.memory_space<hbm>> -> memref<79x128xi32, #tpu.memory_space<hbm>>
      %dma_start3A_9 = arith.constant 0 : i32
      %dma_start3A_10 = arith.constant 0 : i32
      %dma_start3A_11 = tpu.memref_slice %arg5[%add3A, %dma_start3A_9, %dma_start3A_10] : memref<32x79x128xi32, #tpu.memory_space<hbm>> -> memref<1x79x128xi32, #tpu.memory_space<hbm>>
      %dma_start3A_12 = tpu.memref_squeeze %dma_start3A_11 : memref<1x79x128xi32, #tpu.memory_space<hbm>> -> memref<79x128xi32, #tpu.memory_space<hbm>>
      tpu.enqueue_dma source(%dma_start3A_12 : memref<79x128xi32, #tpu.memory_space<hbm>>) target(%arg8 : memref<79x128xi32, #tpu.memory_space<vmem>>) target_semaphore(%run_scoped3A : memref<!tpu.dma_semaphore, #tpu.memory_space<semaphore_mem>>)
      %dma_wait3A = arith.constant 0 : i32
      %dma_wait3A_13 = arith.constant 0 : i32
      %dma_wait3A_14 = tpu.memref_slice %arg5[%add3A, %dma_wait3A, %dma_wait3A_13] : memref<32x79x128xi32, #tpu.memory_space<hbm>> -> memref<1x79x128xi32, #tpu.memory_space<hbm>>
      %dma_wait3A_15 = tpu.memref_squeeze %dma_wait3A_14 : memref<1x79x128xi32, #tpu.memory_space<hbm>> -> memref<79x128xi32, #tpu.memory_space<hbm>>
      %dma_wait3A_16 = arith.constant 0 : i32
      %dma_wait3A_17 = arith.constant 0 : i32
      %dma_wait3A_18 = tpu.memref_slice %arg5[%add3A, %dma_wait3A_16, %dma_wait3A_17] : memref<32x79x128xi32, #tpu.memory_space<hbm>> -> memref<1x79x128xi32, #tpu.memory_space<hbm>>
      %dma_wait3A_19 = tpu.memref_squeeze %dma_wait3A_18 : memref<1x79x128xi32, #tpu.memory_space<hbm>> -> memref<79x128xi32, #tpu.memory_space<hbm>>
      tpu.wait_dma2 semaphore(%run_scoped3A : memref<!tpu.dma_semaphore, #tpu.memory_space<semaphore_mem>>) src(%dma_wait3A_19 : memref<79x128xi32, #tpu.memory_space<hbm>>) dst(%arg8 : memref<79x128xi32, #tpu.memory_space<vmem>>)
      tpu.yield
    }) : () -> ()
    %scan3A = arith.constant 0 : i32
    %scan3A_1 = arith.constant 0 : i32
    %scan3A_2 = arith.constant 79 : i32
    %scan3A_3 = arith.addi %scan3A_1, %scan3A_2 : i32
    %scan3A_4 = arith.constant 1 : i32
    scf.for %scan3A_6 = %scan3A_1 to %scan3A_3 step %scan3A_4  : i32 {
      %dma_start3A = arith.constant 0 : i32
      %dma_start3A_7 = tpu.memref_slice %arg7[%scan3A_6, %dma_start3A] : memref<79x128xi32, #tpu.memory_space<vmem>> -> memref<1x128xi32, #tpu.memory_space<vmem>>
      %dma_start3A_8 = tpu.memref_squeeze %dma_start3A_7 : memref<1x128xi32, #tpu.memory_space<vmem>> -> memref<128xi32, #tpu.memory_space<vmem>>
      %dma_start3A_9 = arith.constant 0 : i32
      %dma_start3A_10 = arith.constant 0 : i32
      %dma_start3A_11 = tpu.memref_slice %arg2[%dma_start3A_9, %dma_start3A_10] : memref<10240x128xf32, #tpu.memory_space<hbm>> -> memref<10240x128xf32, #tpu.memory_space<hbm>>
      tpu.enqueue_indirect_dma source(%dma_start3A_11 : memref<10240x128xf32, #tpu.memory_space<hbm>>) target(%arg9 : memref<128x128xf32, #tpu.memory_space<vmem>>) offsets(%dma_start3A_8 : memref<128xi32, #tpu.memory_space<vmem>>) semaphore(%arg11 : memref<!tpu.dma_semaphore, #tpu.memory_space<semaphore_mem>>)
      %dma_start3A_12 = arith.constant 0 : i32
      %dma_start3A_13 = tpu.memref_slice %arg8[%scan3A_6, %dma_start3A_12] : memref<79x128xi32, #tpu.memory_space<vmem>> -> memref<1x128xi32, #tpu.memory_space<vmem>>
      %dma_start3A_14 = tpu.memref_squeeze %dma_start3A_13 : memref<1x128xi32, #tpu.memory_space<vmem>> -> memref<128xi32, #tpu.memory_space<vmem>>
      %dma_start3A_15 = arith.constant 0 : i32
      %dma_start3A_16 = arith.constant 0 : i32
      %dma_start3A_17 = tpu.memref_slice %arg3[%dma_start3A_15, %dma_start3A_16] : memref<10240x128xf32, #tpu.memory_space<hbm>> -> memref<10240x128xf32, #tpu.memory_space<hbm>>
      tpu.enqueue_indirect_dma source(%dma_start3A_17 : memref<10240x128xf32, #tpu.memory_space<hbm>>) target(%arg10 : memref<128x128xf32, #tpu.memory_space<vmem>>) offsets(%dma_start3A_14 : memref<128xi32, #tpu.memory_space<vmem>>) semaphore(%arg12 : memref<!tpu.dma_semaphore, #tpu.memory_space<semaphore_mem>>)
      %dma_wait3A = arith.constant 0 : i32
      %dma_wait3A_18 = tpu.memref_slice %arg7[%scan3A_6, %dma_wait3A] : memref<79x128xi32, #tpu.memory_space<vmem>> -> memref<1x128xi32, #tpu.memory_space<vmem>>
      %dma_wait3A_19 = tpu.memref_squeeze %dma_wait3A_18 : memref<1x128xi32, #tpu.memory_space<vmem>> -> memref<128xi32, #tpu.memory_space<vmem>>
      %dma_wait3A_20 = arith.constant 0 : i32
      %dma_wait3A_21 = arith.constant 0 : i32
      %dma_wait3A_22 = tpu.memref_slice %arg2[%dma_wait3A_20, %dma_wait3A_21] : memref<10240x128xf32, #tpu.memory_space<hbm>> -> memref<10240x128xf32, #tpu.memory_space<hbm>>
      tpu.wait_indirect_dma semaphore(%arg11 : memref<!tpu.dma_semaphore, #tpu.memory_space<semaphore_mem>>) src(%dma_wait3A_22 : memref<10240x128xf32, #tpu.memory_space<hbm>>) dst(%arg9 : memref<128x128xf32, #tpu.memory_space<vmem>>)
      %dma_wait3A_23 = arith.constant 0 : i32
      %dma_wait3A_24 = tpu.memref_slice %arg8[%scan3A_6, %dma_wait3A_23] : memref<79x128xi32, #tpu.memory_space<vmem>> -> memref<1x128xi32, #tpu.memory_space<vmem>>
      %dma_wait3A_25 = tpu.memref_squeeze %dma_wait3A_24 : memref<1x128xi32, #tpu.memory_space<vmem>> -> memref<128xi32, #tpu.memory_space<vmem>>
      %dma_wait3A_26 = arith.constant 0 : i32
      %dma_wait3A_27 = arith.constant 0 : i32
      %dma_wait3A_28 = tpu.memref_slice %arg3[%dma_wait3A_26, %dma_wait3A_27] : memref<10240x128xf32, #tpu.memory_space<hbm>> -> memref<10240x128xf32, #tpu.memory_space<hbm>>
      tpu.wait_indirect_dma semaphore(%arg12 : memref<!tpu.dma_semaphore, #tpu.memory_space<semaphore_mem>>) src(%dma_wait3A_28 : memref<10240x128xf32, #tpu.memory_space<hbm>>) dst(%arg10 : memref<128x128xf32, #tpu.memory_space<vmem>>)
      %scan3A_29 = arith.constant 0 : i32
      %scan3A_30 = arith.constant 0 : i32
      %scan3A_31 = arith.constant 128 : i32
      %scan3A_32 = arith.addi %scan3A_30, %scan3A_31 : i32
      %scan3A_33 = arith.constant 1 : i32
      scf.for %scan3A_40 = %scan3A_30 to %scan3A_32 step %scan3A_33  : i32 {
        %get3A = arith.index_cast %scan3A_40 : i32 to index
        %get3A_41 = arith.constant 0 : index
        %get3A_42 = tpu.vector_load %arg9[%get3A, %get3A_41] {strides = array<i32>} : memref<128x128xf32, #tpu.memory_space<vmem>>, vector<1x16xf32>,
        %get3A_43 = vector.shape_cast %get3A_42 : vector<1x16xf32> to vector<16xf32>
        %get3A_44 = arith.index_cast %scan3A_40 : i32 to index
        %get3A_45 = arith.constant 0 : index
        %get3A_46 = tpu.vector_load %arg10[%get3A_44, %get3A_45] {strides = array<i32>} : memref<128x128xf32, #tpu.memory_space<vmem>>, vector<1x16xf32>,
        %get3A_47 = vector.shape_cast %get3A_46 : vector<1x16xf32> to vector<16xf32>
        %add3A_48 = arith.addf %get3A_43, %get3A_47 : vector<16xf32>
        %swap3A = arith.index_cast %scan3A_40 : i32 to index
        %swap3A_49 = arith.constant 0 : index
        %swap3A_50 = tpu.vector_load %arg9[%swap3A, %swap3A_49] {strides = array<i32>} : memref<128x128xf32, #tpu.memory_space<vmem>>, vector<1x16xf32>,
        %swap3A_51 = vector.shape_cast %swap3A_50 : vector<1x16xf32> to vector<16xf32>
        %swap3A_52 = vector.shape_cast %add3A_48 : vector<16xf32> to vector<1x16xf32>
        tpu.vector_store %arg9[%swap3A, %swap3A_49], %swap3A_52 {strides = array<i32>} : memref<128x128xf32, #tpu.memory_space<vmem>>, vector<1x16xf32>,
        %get3A_53 = arith.index_cast %scan3A_40 : i32 to index
        %get3A_54 = arith.constant 16 : index
        %get3A_55 = tpu.vector_load %arg9[%get3A_53, %get3A_54] {strides = array<i32>} : memref<128x128xf32, #tpu.memory_space<vmem>>, vector<1x16xf32>,
        %get3A_56 = vector.shape_cast %get3A_55 : vector<1x16xf32> to vector<16xf32>
        %get3A_57 = arith.index_cast %scan3A_40 : i32 to index
        %get3A_58 = arith.constant 16 : index
        %get3A_59 = tpu.vector_load %arg10[%get3A_57, %get3A_58] {strides = array<i32>} : memref<128x128xf32, #tpu.memory_space<vmem>>, vector<1x16xf32>,
        %get3A_60 = vector.shape_cast %get3A_59 : vector<1x16xf32> to vector<16xf32>
        %add3A_61 = arith.addf %get3A_56, %get3A_60 : vector<16xf32>
        %swap3A_62 = arith.index_cast %scan3A_40 : i32 to index
        %swap3A_63 = arith.constant 16 : index
        %swap3A_64 = tpu.vector_load %arg9[%swap3A_62, %swap3A_63] {strides = array<i32>} : memref<128x128xf32, #tpu.memory_space<vmem>>, vector<1x16xf32>,
        %swap3A_65 = vector.shape_cast %swap3A_64 : vector<1x16xf32> to vector<16xf32>
        %swap3A_66 = vector.shape_cast %add3A_61 : vector<16xf32> to vector<1x16xf32>
        tpu.vector_store %arg9[%swap3A_62, %swap3A_63], %swap3A_66 {strides = array<i32>} : memref<128x128xf32, #tpu.memory_space<vmem>>, vector<1x16xf32>,
        %get3A_67 = arith.index_cast %scan3A_40 : i32 to index
        %get3A_68 = arith.constant 32 : index
        %get3A_69 = tpu.vector_load %arg9[%get3A_67, %get3A_68] {strides = array<i32>} : memref<128x128xf32, #tpu.memory_space<vmem>>, vector<1x16xf32>,
        %get3A_70 = vector.shape_cast %get3A_69 : vector<1x16xf32> to vector<16xf32>
        %get3A_71 = arith.index_cast %scan3A_40 : i32 to index
        %get3A_72 = arith.constant 32 : index
        %get3A_73 = tpu.vector_load %arg10[%get3A_71, %get3A_72] {strides = array<i32>} : memref<128x128xf32, #tpu.memory_space<vmem>>, vector<1x16xf32>,
        %get3A_74 = vector.shape_cast %get3A_73 : vector<1x16xf32> to vector<16xf32>
        %add3A_75 = arith.addf %get3A_70, %get3A_74 : vector<16xf32>
        %swap3A_76 = arith.index_cast %scan3A_40 : i32 to index
        %swap3A_77 = arith.constant 32 : index
        %swap3A_78 = tpu.vector_load %arg9[%swap3A_76, %swap3A_77] {strides = array<i32>} : memref<128x128xf32, #tpu.memory_space<vmem>>, vector<1x16xf32>,
        %swap3A_79 = vector.shape_cast %swap3A_78 : vector<1x16xf32> to vector<16xf32>
        %swap3A_80 = vector.shape_cast %add3A_75 : vector<16xf32> to vector<1x16xf32>
        tpu.vector_store %arg9[%swap3A_76, %swap3A_77], %swap3A_80 {strides = array<i32>} : memref<128x128xf32, #tpu.memory_space<vmem>>, vector<1x16xf32>,
        %get3A_81 = arith.index_cast %scan3A_40 : i32 to index
        %get3A_82 = arith.constant 48 : index
        %get3A_83 = tpu.vector_load %arg9[%get3A_81, %get3A_82] {strides = array<i32>} : memref<128x128xf32, #tpu.memory_space<vmem>>, vector<1x16xf32>,
        %get3A_84 = vector.shape_cast %get3A_83 : vector<1x16xf32> to vector<16xf32>
        %get3A_85 = arith.index_cast %scan3A_40 : i32 to index
        %get3A_86 = arith.constant 48 : index
        %get3A_87 = tpu.vector_load %arg10[%get3A_85, %get3A_86] {strides = array<i32>} : memref<128x128xf32, #tpu.memory_space<vmem>>, vector<1x16xf32>,
        %get3A_88 = vector.shape_cast %get3A_87 : vector<1x16xf32> to vector<16xf32>
        %add3A_89 = arith.addf %get3A_84, %get3A_88 : vector<16xf32>
        %swap3A_90 = arith.index_cast %scan3A_40 : i32 to index
        %swap3A_91 = arith.constant 48 : index
        %swap3A_92 = tpu.vector_load %arg9[%swap3A_90, %swap3A_91] {strides = array<i32>} : memref<128x128xf32, #tpu.memory_space<vmem>>, vector<1x16xf32>,
        %swap3A_93 = vector.shape_cast %swap3A_92 : vector<1x16xf32> to vector<16xf32>
        %swap3A_94 = vector.shape_cast %add3A_89 : vector<16xf32> to vector<1x16xf32>
        tpu.vector_store %arg9[%swap3A_90, %swap3A_91], %swap3A_94 {strides = array<i32>} : memref<128x128xf32, #tpu.memory_space<vmem>>, vector<1x16xf32>,
        %get3A_95 = arith.index_cast %scan3A_40 : i32 to index
        %get3A_96 = arith.constant 64 : index
        %get3A_97 = tpu.vector_load %arg9[%get3A_95, %get3A_96] {strides = array<i32>} : memref<128x128xf32, #tpu.memory_space<vmem>>, vector<1x16xf32>,
        %get3A_98 = vector.shape_cast %get3A_97 : vector<1x16xf32> to vector<16xf32>
        %get3A_99 = arith.index_cast %scan3A_40 : i32 to index
        %get3A_100 = arith.constant 64 : index
        %get3A_101 = tpu.vector_load %arg10[%get3A_99, %get3A_100] {strides = array<i32>} : memref<128x128xf32, #tpu.memory_space<vmem>>, vector<1x16xf32>,
        %get3A_102 = vector.shape_cast %get3A_101 : vector<1x16xf32> to vector<16xf32>
        %add3A_103 = arith.addf %get3A_98, %get3A_102 : vector<16xf32>
        %swap3A_104 = arith.index_cast %scan3A_40 : i32 to index
        %swap3A_105 = arith.constant 64 : index
        %swap3A_106 = tpu.vector_load %arg9[%swap3A_104, %swap3A_105] {strides = array<i32>} : memref<128x128xf32, #tpu.memory_space<vmem>>, vector<1x16xf32>,
        %swap3A_107 = vector.shape_cast %swap3A_106 : vector<1x16xf32> to vector<16xf32>
        %swap3A_108 = vector.shape_cast %add3A_103 : vector<16xf32> to vector<1x16xf32>
        tpu.vector_store %arg9[%swap3A_104, %swap3A_105], %swap3A_108 {strides = array<i32>} : memref<128x128xf32, #tpu.memory_space<vmem>>, vector<1x16xf32>,
        %get3A_109 = arith.index_cast %scan3A_40 : i32 to index
        %get3A_110 = arith.constant 80 : index
        %get3A_111 = tpu.vector_load %arg9[%get3A_109, %get3A_110] {strides = array<i32>} : memref<128x128xf32, #tpu.memory_space<vmem>>, vector<1x16xf32>,
        %get3A_112 = vector.shape_cast %get3A_111 : vector<1x16xf32> to vector<16xf32>
        %get3A_113 = arith.index_cast %scan3A_40 : i32 to index
        %get3A_114 = arith.constant 80 : index
        %get3A_115 = tpu.vector_load %arg10[%get3A_113, %get3A_114] {strides = array<i32>} : memref<128x128xf32, #tpu.memory_space<vmem>>, vector<1x16xf32>,
        %get3A_116 = vector.shape_cast %get3A_115 : vector<1x16xf32> to vector<16xf32>
        %add3A_117 = arith.addf %get3A_112, %get3A_116 : vector<16xf32>
        %swap3A_118 = arith.index_cast %scan3A_40 : i32 to index
        %swap3A_119 = arith.constant 80 : index
        %swap3A_120 = tpu.vector_load %arg9[%swap3A_118, %swap3A_119] {strides = array<i32>} : memref<128x128xf32, #tpu.memory_space<vmem>>, vector<1x16xf32>,
        %swap3A_121 = vector.shape_cast %swap3A_120 : vector<1x16xf32> to vector<16xf32>
        %swap3A_122 = vector.shape_cast %add3A_117 : vector<16xf32> to vector<1x16xf32>
        tpu.vector_store %arg9[%swap3A_118, %swap3A_119], %swap3A_122 {strides = array<i32>} : memref<128x128xf32, #tpu.memory_space<vmem>>, vector<1x16xf32>,
        %get3A_123 = arith.index_cast %scan3A_40 : i32 to index
        %get3A_124 = arith.constant 96 : index
        %get3A_125 = tpu.vector_load %arg9[%get3A_123, %get3A_124] {strides = array<i32>} : memref<128x128xf32, #tpu.memory_space<vmem>>, vector<1x16xf32>,
        %get3A_126 = vector.shape_cast %get3A_125 : vector<1x16xf32> to vector<16xf32>
        %get3A_127 = arith.index_cast %scan3A_40 : i32 to index
        %get3A_128 = arith.constant 96 : index
        %get3A_129 = tpu.vector_load %arg10[%get3A_127, %get3A_128] {strides = array<i32>} : memref<128x128xf32, #tpu.memory_space<vmem>>, vector<1x16xf32>,
        %get3A_130 = vector.shape_cast %get3A_129 : vector<1x16xf32> to vector<16xf32>
        %add3A_131 = arith.addf %get3A_126, %get3A_130 : vector<16xf32>
        %swap3A_132 = arith.index_cast %scan3A_40 : i32 to index
        %swap3A_133 = arith.constant 96 : index
        %swap3A_134 = tpu.vector_load %arg9[%swap3A_132, %swap3A_133] {strides = array<i32>} : memref<128x128xf32, #tpu.memory_space<vmem>>, vector<1x16xf32>,
        %swap3A_135 = vector.shape_cast %swap3A_134 : vector<1x16xf32> to vector<16xf32>
        %swap3A_136 = vector.shape_cast %add3A_131 : vector<16xf32> to vector<1x16xf32>
        tpu.vector_store %arg9[%swap3A_132, %swap3A_133], %swap3A_136 {strides = array<i32>} : memref<128x128xf32, #tpu.memory_space<vmem>>, vector<1x16xf32>,
        %get3A_137 = arith.index_cast %scan3A_40 : i32 to index
        %get3A_138 = arith.constant 112 : index
        %get3A_139 = tpu.vector_load %arg9[%get3A_137, %get3A_138] {strides = array<i32>} : memref<128x128xf32, #tpu.memory_space<vmem>>, vector<1x16xf32>,
        %get3A_140 = vector.shape_cast %get3A_139 : vector<1x16xf32> to vector<16xf32>
        %get3A_141 = arith.index_cast %scan3A_40 : i32 to index
        %get3A_142 = arith.constant 112 : index
        %get3A_143 = tpu.vector_load %arg10[%get3A_141, %get3A_142] {strides = array<i32>} : memref<128x128xf32, #tpu.memory_space<vmem>>, vector<1x16xf32>,
        %get3A_144 = vector.shape_cast %get3A_143 : vector<1x16xf32> to vector<16xf32>
        %add3A_145 = arith.addf %get3A_140, %get3A_144 : vector<16xf32>
        %swap3A_146 = arith.index_cast %scan3A_40 : i32 to index
        %swap3A_147 = arith.constant 112 : index
        %swap3A_148 = tpu.vector_load %arg9[%swap3A_146, %swap3A_147] {strides = array<i32>} : memref<128x128xf32, #tpu.memory_space<vmem>>, vector<1x16xf32>,
        %swap3A_149 = vector.shape_cast %swap3A_148 : vector<1x16xf32> to vector<16xf32>
        %swap3A_150 = vector.shape_cast %add3A_145 : vector<16xf32> to vector<1x16xf32>
        tpu.vector_store %arg9[%swap3A_146, %swap3A_147], %swap3A_150 {strides = array<i32>} : memref<128x128xf32, #tpu.memory_space<vmem>>, vector<1x16xf32>,
      }
      %scan3A_34 = arith.constant 128 : i32
      %mul3A_35 = arith.constant 79 : i32
      %mul3A_36 = arith.muli %add3A, %mul3A_35 : i32
      %add3A_37 = arith.addi %mul3A_36, %scan3A_6 : i32
      %mul3A_38 = arith.constant 128 : i32
      %mul3A_39 = arith.muli %add3A_37, %mul3A_38 : i32
      "tpu.region"() ({
        %run_scoped3A = tpu.sem_alloc : memref<!tpu.dma_semaphore, #tpu.memory_space<semaphore_mem>>
        %dma_start3A_40 = arith.constant 0 : i32
        %dma_start3A_41 = tpu.memref_slice %arg6[%mul3A_39, %dma_start3A_40] : memref<323584x128xf32, #tpu.memory_space<hbm>> -> memref<128x128xf32, #tpu.memory_space<hbm>>
        %dma_start3A_42 = arith.constant 0 : i32
        %dma_start3A_43 = tpu.memref_slice %arg6[%mul3A_39, %dma_start3A_42] : memref<323584x128xf32, #tpu.memory_space<hbm>> -> memref<128x128xf32, #tpu.memory_space<hbm>>
        tpu.enqueue_dma source(%arg9 : memref<128x128xf32, #tpu.memory_space<vmem>>) target(%dma_start3A_43 : memref<128x128xf32, #tpu.memory_space<hbm>>) target_semaphore(%run_scoped3A : memref<!tpu.dma_semaphore, #tpu.memory_space<semaphore_mem>>)
        %dma_wait3A_44 = arith.constant 0 : i32
        %dma_wait3A_45 = tpu.memref_slice %arg6[%mul3A_39, %dma_wait3A_44] : memref<323584x128xf32, #tpu.memory_space<hbm>> -> memref<128x128xf32, #tpu.memory_space<hbm>>
        %dma_wait3A_46 = arith.constant 0 : i32
        %dma_wait3A_47 = tpu.memref_slice %arg6[%mul3A_39, %dma_wait3A_46] : memref<323584x128xf32, #tpu.memory_space<hbm>> -> memref<128x128xf32, #tpu.memory_space<hbm>>
        tpu.wait_dma2 semaphore(%run_scoped3A : memref<!tpu.dma_semaphore, #tpu.memory_space<semaphore_mem>>) src(%arg9 : memref<128x128xf32, #tpu.memory_space<vmem>>) dst(%dma_wait3A_47 : memref<128x128xf32, #tpu.memory_space<hbm>>)
        tpu.yield
      }) : () -> ()
    }
    %scan3A_5 = arith.constant 79 : i32
    return
  }
}

module attributes {stable_mosaic.version = 14 : i64} {
  func.func @body(%arg0: i32, %arg1: memref<1024x128xf32, #tpu.memory_space<vmem>>, %arg2: memref<2x1024x128xf32, #tpu.memory_space<vmem>>, %arg3: memref<128x128xf32, #tpu.memory_space<vmem>>, %arg4: memref<128xf32, #tpu.memory_space<vmem>>, %arg5: memref<128x128xf32, #tpu.memory_space<vmem>>, %arg6: memref<128xf32, #tpu.memory_space<vmem>>, %arg7: memref<128x128xf32, #tpu.memory_space<vmem>>, %arg8: memref<1024x128xf32, #tpu.memory_space<vmem>>, %arg9: memref<1024x1xf32, #tpu.memory_space<vmem>>) attributes {dimension_semantics = [#tpu.dimension_semantics<arbitrary>], iteration_bounds = array<i64: 10>, scalar_prefetch = 0 : i64, scratch_operands = 0 : i64, tpu.core_type = #tpu.core_type<tc>, window_params = [{transform_indices = @transform_0, window_bounds = array<i64: 1024, 128>}, {transform_indices = @transform_1, window_bounds = array<i64: 2, 1024, 128>}, {pipeline_mode = #tpu.pipeline_mode<synchronous>, transform_indices = @transform_2, window_bounds = array<i64: 128, 128>}, {pipeline_mode = #tpu.pipeline_mode<synchronous>, transform_indices = @transform_3, window_bounds = array<i64: 128>}, {pipeline_mode = #tpu.pipeline_mode<synchronous>, transform_indices = @transform_4, window_bounds = array<i64: 128, 128>}, {pipeline_mode = #tpu.pipeline_mode<synchronous>, transform_indices = @transform_5, window_bounds = array<i64: 128>}, {pipeline_mode = #tpu.pipeline_mode<synchronous>, transform_indices = @transform_6, window_bounds = array<i64: 128, 128>}, {transform_indices = @transform_7, window_bounds = array<i64: 1024, 128>}, {transform_indices = @transform_8, window_bounds = array<i64: 1024, 1>}]} {
    %get3A = arith.constant 0 : index
    %get3A_0 = arith.constant 0 : index
    %get3A_1 = vector.load %arg1[%get3A, %get3A_0] : memref<1024x128xf32, #tpu.memory_space<vmem>>, vector<1024x128xf32>
    %get3A_2 = arith.constant 0 : index
    %get3A_3 = arith.constant 0 : index
    %get3A_4 = vector.load %arg3[%get3A_2, %get3A_3] : memref<128x128xf32, #tpu.memory_space<vmem>>, vector<128x128xf32>
    %dot_general3A = arith.constant dense<0.000000e+00> : vector<1024x128xf32>
    %dot_general3A_5 = tpu.matmul %get3A_1, %get3A_4, %dot_general3A {dimension_numbers = #tpu.dot_dimension_numbers<[1], [0], [0], [1], [0, 0, 1, 1], [], []>, transpose_lhs_hint = false} : vector<1024x128xf32>, vector<128x128xf32>, vector<1024x128xf32> -> vector<1024x128xf32>
    %get3A_6 = arith.constant 0 : index
    %get3A_7 = vector.load %arg4[%get3A_6] : memref<128xf32, #tpu.memory_space<vmem>>, vector<128xf32>
    %broadcast_in_dim3A = vector.shape_cast %get3A_7 : vector<128xf32> to vector<1x128xf32>
    %add3A = vector.broadcast %broadcast_in_dim3A : vector<1x128xf32> to vector<1024x128xf32>
    %add3A_8 = arith.addf %dot_general3A_5, %add3A : vector<1024x128xf32>
    %max3A = arith.constant 0.000000e+00 : f32
    %max3A_9 = vector.broadcast %max3A : f32 to vector<1024x128xf32>
    %max3A_10 = arith.maximumf %add3A_8, %max3A_9 : vector<1024x128xf32>
    %get3A_11 = arith.constant 0 : index
    %get3A_12 = arith.constant 0 : index
    %get3A_13 = vector.load %arg5[%get3A_11, %get3A_12] : memref<128x128xf32, #tpu.memory_space<vmem>>, vector<128x128xf32>
    %dot_general3A_14 = arith.constant dense<0.000000e+00> : vector<1024x128xf32>
    %dot_general3A_15 = tpu.matmul %max3A_10, %get3A_13, %dot_general3A_14 {dimension_numbers = #tpu.dot_dimension_numbers<[1], [0], [0], [1], [0, 0, 1, 1], [], []>, transpose_lhs_hint = false} : vector<1024x128xf32>, vector<128x128xf32>, vector<1024x128xf32> -> vector<1024x128xf32>
    %get3A_16 = arith.constant 0 : index
    %get3A_17 = vector.load %arg6[%get3A_16] : memref<128xf32, #tpu.memory_space<vmem>>, vector<128xf32>
    %broadcast_in_dim3A_18 = vector.shape_cast %get3A_17 : vector<128xf32> to vector<1x128xf32>
    %add3A_19 = vector.broadcast %broadcast_in_dim3A_18 : vector<1x128xf32> to vector<1024x128xf32>
    %add3A_20 = arith.addf %dot_general3A_15, %add3A_19 : vector<1024x128xf32>
    %max3A_21 = arith.constant 0.000000e+00 : f32
    %max3A_22 = vector.broadcast %max3A_21 : f32 to vector<1024x128xf32>
    %max3A_23 = arith.maximumf %add3A_20, %max3A_22 : vector<1024x128xf32>
    %get3A_24 = arith.constant 0 : index
    %get3A_25 = arith.constant 0 : index
    %get3A_26 = vector.load %arg7[%get3A_24, %get3A_25] : memref<128x128xf32, #tpu.memory_space<vmem>>, vector<128x128xf32>
    %dot_general3A_27 = arith.constant dense<0.000000e+00> : vector<1024x128xf32>
    %dot_general3A_28 = tpu.matmul %max3A_23, %get3A_26, %dot_general3A_27 {dimension_numbers = #tpu.dot_dimension_numbers<[1], [0], [0], [1], [0, 0, 1, 1], [], []>, transpose_lhs_hint = false} : vector<1024x128xf32>, vector<128x128xf32>, vector<1024x128xf32> -> vector<1024x128xf32>
    %get3A_29 = arith.constant 0 : index
    %get3A_30 = arith.constant 0 : index
    %get3A_31 = arith.constant 0 : index
    %get3A_32 = vector.load %arg2[%get3A_29, %get3A_30, %get3A_31] : memref<2x1024x128xf32, #tpu.memory_space<vmem>>, vector<2x1024x128xf32>
    %slice3A = vector.extract_strided_slice %get3A_32 {offsets = [0, 0, 0], sizes = [1, 1024, 1], strides = [1, 1, 1]} : vector<2x1024x128xf32> to vector<1x1024x1xf32>
    %squeeze3A = vector.shape_cast %slice3A : vector<1x1024x1xf32> to vector<1024x1xf32>
    %slice3A_33 = vector.extract_strided_slice %get3A_32 {offsets = [1, 0, 0], sizes = [1, 1024, 1], strides = [1, 1, 1]} : vector<2x1024x128xf32> to vector<1x1024x1xf32>
    %squeeze3A_34 = vector.shape_cast %slice3A_33 : vector<1x1024x1xf32> to vector<1024x1xf32>
    %add3A_35 = arith.addf %squeeze3A, %squeeze3A_34 : vector<1024x1xf32>
    %add3A_36 = arith.constant 1.000000e+00 : f32
    %add3A_37 = vector.broadcast %add3A_36 : f32 to vector<1024x1xf32>
    %add3A_38 = arith.addf %add3A_35, %add3A_37 : vector<1024x1xf32>
    %rsqrt3A = math.rsqrt %add3A_38 : vector<1024x1xf32>
    %mul3A = vector.broadcast %rsqrt3A : vector<1024x1xf32> to vector<1024x128xf32>
    %mul3A_39 = arith.mulf %dot_general3A_28, %mul3A : vector<1024x128xf32>
    %swap3A = arith.constant 0 : index
    %swap3A_40 = arith.constant 0 : index
    %swap3A_41 = vector.load %arg8[%swap3A, %swap3A_40] : memref<1024x128xf32, #tpu.memory_space<vmem>>, vector<1024x128xf32>
    tpu.vector_store %arg8[%swap3A, %swap3A_40], %mul3A_39 {strides = array<i32>} : memref<1024x128xf32, #tpu.memory_space<vmem>>, vector<1024x128xf32>,
    %swap3A_42 = arith.constant 0 : index
    %swap3A_43 = arith.constant 0 : index
    %swap3A_44 = vector.load %arg9[%swap3A_42, %swap3A_43] : memref<1024x1xf32, #tpu.memory_space<vmem>>, vector<1024x1xf32>
    tpu.vector_store %arg9[%swap3A_42, %swap3A_43], %rsqrt3A {strides = array<i32>} : memref<1024x1xf32, #tpu.memory_space<vmem>>, vector<1024x1xf32>,
    return
  }
  func.func @transform_0(%arg0: i32) -> (i32, i32) {
    %c0_i32 = arith.constant 0 : i32
    %c0_i32_0 = arith.constant 0 : i32
    return %arg0, %c0_i32 : i32, i32
  }
  func.func @transform_1(%arg0: i32) -> (i32, i32, i32) {
    %c0_i32 = arith.constant 0 : i32
    %c0_i32_0 = arith.constant 0 : i32
    %c0_i32_1 = arith.constant 0 : i32
    return %c0_i32, %arg0, %c0_i32_0 : i32, i32, i32
  }
  func.func @transform_2(%arg0: i32) -> (i32, i32) {
    %c0_i32 = arith.constant 0 : i32
    %c0_i32_0 = arith.constant 0 : i32
    %c0_i32_1 = arith.constant 0 : i32
    return %c0_i32, %c0_i32_0 : i32, i32
  }
  func.func @transform_3(%arg0: i32) -> i32 {
    %c0_i32 = arith.constant 0 : i32
    %c0_i32_0 = arith.constant 0 : i32
    return %c0_i32 : i32
  }
  func.func @transform_4(%arg0: i32) -> (i32, i32) {
    %c0_i32 = arith.constant 0 : i32
    %c0_i32_0 = arith.constant 0 : i32
    %c0_i32_1 = arith.constant 0 : i32
    return %c0_i32, %c0_i32_0 : i32, i32
  }
  func.func @transform_5(%arg0: i32) -> i32 {
    %c0_i32 = arith.constant 0 : i32
    %c0_i32_0 = arith.constant 0 : i32
    return %c0_i32 : i32
  }
  func.func @transform_6(%arg0: i32) -> (i32, i32) {
    %c0_i32 = arith.constant 0 : i32
    %c0_i32_0 = arith.constant 0 : i32
    %c0_i32_1 = arith.constant 0 : i32
    return %c0_i32, %c0_i32_0 : i32, i32
  }
  func.func @transform_7(%arg0: i32) -> (i32, i32) {
    %c0_i32 = arith.constant 0 : i32
    %c0_i32_0 = arith.constant 0 : i32
    return %arg0, %c0_i32 : i32, i32
  }
  func.func @transform_8(%arg0: i32) -> (i32, i32) {
    %c0_i32 = arith.constant 0 : i32
    %c0_i32_0 = arith.constant 0 : i32
    return %arg0, %c0_i32 : i32, i32
  }
}

module attributes {stable_mosaic.version = 14 : i64} {
  func.func @body(%arg0: i32, %arg1: memref<2x1024x128xf32, #tpu.memory_space<vmem>>, %arg2: memref<1024x128xf32, #tpu.memory_space<vmem>>, %arg3: memref<1024x1xf32, #tpu.memory_space<vmem>>, %arg4: memref<128xf32, #tpu.memory_space<vmem>>, %arg5: memref<128x128xf32, #tpu.memory_space<vmem>>, %arg6: memref<1024x128xf32, #tpu.memory_space<vmem>>) attributes {dimension_semantics = [#tpu.dimension_semantics<arbitrary>], iteration_bounds = array<i64: 10>, scalar_prefetch = 0 : i64, scratch_operands = 0 : i64, tpu.core_type = #tpu.core_type<tc>, window_params = [{transform_indices = @transform_0, window_bounds = array<i64: 2, 1024, 128>}, {transform_indices = @transform_1, window_bounds = array<i64: 1024, 128>}, {transform_indices = @transform_2, window_bounds = array<i64: 1024, 1>}, {pipeline_mode = #tpu.pipeline_mode<synchronous>, transform_indices = @transform_3, window_bounds = array<i64: 128>}, {pipeline_mode = #tpu.pipeline_mode<synchronous>, transform_indices = @transform_4, window_bounds = array<i64: 128, 128>}, {transform_indices = @transform_5, window_bounds = array<i64: 1024, 128>}]} {
    %get3A = arith.constant 0 : index
    %get3A_0 = arith.constant 0 : index
    %get3A_1 = arith.constant 0 : index
    %get3A_2 = vector.load %arg1[%get3A, %get3A_0, %get3A_1] : memref<2x1024x128xf32, #tpu.memory_space<vmem>>, vector<2x1024x128xf32>
    %get3A_3 = arith.constant 0 : index
    %get3A_4 = arith.constant 0 : index
    %get3A_5 = vector.load %arg3[%get3A_3, %get3A_4] : memref<1024x1xf32, #tpu.memory_space<vmem>>, vector<1024x1xf32>
    %slice3A = vector.extract_strided_slice %get3A_2 {offsets = [0, 0, 0], sizes = [1, 1024, 128], strides = [1, 1, 1]} : vector<2x1024x128xf32> to vector<1x1024x128xf32>
    %squeeze3A = vector.shape_cast %slice3A : vector<1x1024x128xf32> to vector<1024x128xf32>
    %slice3A_6 = vector.extract_strided_slice %get3A_2 {offsets = [1, 0, 0], sizes = [1, 1024, 128], strides = [1, 1, 1]} : vector<2x1024x128xf32> to vector<1x1024x128xf32>
    %squeeze3A_7 = vector.shape_cast %slice3A_6 : vector<1x1024x128xf32> to vector<1024x128xf32>
    %add3A = arith.addf %squeeze3A, %squeeze3A_7 : vector<1024x128xf32>
    %get3A_8 = arith.constant 0 : index
    %get3A_9 = arith.constant 0 : index
    %get3A_10 = vector.load %arg2[%get3A_8, %get3A_9] : memref<1024x128xf32, #tpu.memory_space<vmem>>, vector<1024x128xf32>
    %add3A_11 = arith.addf %add3A, %get3A_10 : vector<1024x128xf32>
    %mul3A = vector.broadcast %get3A_5 : vector<1024x1xf32> to vector<1024x128xf32>
    %mul3A_12 = arith.mulf %add3A_11, %mul3A : vector<1024x128xf32>
    %get3A_13 = arith.constant 0 : index
    %get3A_14 = vector.load %arg4[%get3A_13] : memref<128xf32, #tpu.memory_space<vmem>>, vector<128xf32>
    %broadcast_in_dim3A = vector.shape_cast %get3A_14 : vector<128xf32> to vector<1x128xf32>
    %add3A_15 = vector.broadcast %broadcast_in_dim3A : vector<1x128xf32> to vector<1024x128xf32>
    %add3A_16 = arith.addf %mul3A_12, %add3A_15 : vector<1024x128xf32>
    %max3A = arith.constant 0.000000e+00 : f32
    %max3A_17 = vector.broadcast %max3A : f32 to vector<1024x128xf32>
    %max3A_18 = arith.maximumf %add3A_16, %max3A_17 : vector<1024x128xf32>
    %get3A_19 = arith.constant 0 : index
    %get3A_20 = arith.constant 0 : index
    %get3A_21 = vector.load %arg5[%get3A_19, %get3A_20] : memref<128x128xf32, #tpu.memory_space<vmem>>, vector<128x128xf32>
    %dot_general3A = arith.constant dense<0.000000e+00> : vector<1024x128xf32>
    %dot_general3A_22 = tpu.matmul %max3A_18, %get3A_21, %dot_general3A {dimension_numbers = #tpu.dot_dimension_numbers<[1], [0], [0], [1], [0, 0, 1, 1], [], []>, transpose_lhs_hint = false} : vector<1024x128xf32>, vector<128x128xf32>, vector<1024x128xf32> -> vector<1024x128xf32>
    %mul3A_23 = vector.broadcast %get3A_5 : vector<1024x1xf32> to vector<1024x128xf32>
    %mul3A_24 = arith.mulf %dot_general3A_22, %mul3A_23 : vector<1024x128xf32>
    %swap3A = arith.constant 0 : index
    %swap3A_25 = arith.constant 0 : index
    %swap3A_26 = vector.load %arg6[%swap3A, %swap3A_25] : memref<1024x128xf32, #tpu.memory_space<vmem>>, vector<1024x128xf32>
    tpu.vector_store %arg6[%swap3A, %swap3A_25], %mul3A_24 {strides = array<i32>} : memref<1024x128xf32, #tpu.memory_space<vmem>>, vector<1024x128xf32>,
    return
  }
  func.func @transform_0(%arg0: i32) -> (i32, i32, i32) {
    %c0_i32 = arith.constant 0 : i32
    %c0_i32_0 = arith.constant 0 : i32
    %c0_i32_1 = arith.constant 0 : i32
    return %c0_i32, %arg0, %c0_i32_0 : i32, i32, i32
  }
  func.func @transform_1(%arg0: i32) -> (i32, i32) {
    %c0_i32 = arith.constant 0 : i32
    %c0_i32_0 = arith.constant 0 : i32
    return %arg0, %c0_i32 : i32, i32
  }
  func.func @transform_2(%arg0: i32) -> (i32, i32) {
    %c0_i32 = arith.constant 0 : i32
    %c0_i32_0 = arith.constant 0 : i32
    return %arg0, %c0_i32 : i32, i32
  }
  func.func @transform_3(%arg0: i32) -> i32 {
    %c0_i32 = arith.constant 0 : i32
    %c0_i32_0 = arith.constant 0 : i32
    return %c0_i32 : i32
  }
  func.func @transform_4(%arg0: i32) -> (i32, i32) {
    %c0_i32 = arith.constant 0 : i32
    %c0_i32_0 = arith.constant 0 : i32
    %c0_i32_1 = arith.constant 0 : i32
    return %c0_i32, %c0_i32_0 : i32, i32
  }
  func.func @transform_5(%arg0: i32) -> (i32, i32) {
    %c0_i32 = arith.constant 0 : i32
    %c0_i32_0 = arith.constant 0 : i32
    return %arg0, %c0_i32 : i32, i32
  }
}

module attributes {stable_mosaic.version = 14 : i64} {
  func.func @body(%arg0: i32, %arg1: memref<2x1024x128xf32, #tpu.memory_space<vmem>>, %arg2: memref<1024x128xf32, #tpu.memory_space<vmem>>, %arg3: memref<1024x1xf32, #tpu.memory_space<vmem>>, %arg4: memref<128xf32, #tpu.memory_space<vmem>>, %arg5: memref<128x128xf32, #tpu.memory_space<vmem>>, %arg6: memref<128x128xf32, #tpu.memory_space<vmem>>, %arg7: memref<1024x128xf32, #tpu.memory_space<vmem>>, %arg8: memref<1024x128xf32, #tpu.memory_space<vmem>>) attributes {dimension_semantics = [#tpu.dimension_semantics<arbitrary>], iteration_bounds = array<i64: 10>, scalar_prefetch = 0 : i64, scratch_operands = 0 : i64, tpu.core_type = #tpu.core_type<tc>, window_params = [{transform_indices = @transform_0, window_bounds = array<i64: 2, 1024, 128>}, {transform_indices = @transform_1, window_bounds = array<i64: 1024, 128>}, {transform_indices = @transform_2, window_bounds = array<i64: 1024, 1>}, {pipeline_mode = #tpu.pipeline_mode<synchronous>, transform_indices = @transform_3, window_bounds = array<i64: 128>}, {pipeline_mode = #tpu.pipeline_mode<synchronous>, transform_indices = @transform_4, window_bounds = array<i64: 128, 128>}, {pipeline_mode = #tpu.pipeline_mode<synchronous>, transform_indices = @transform_5, window_bounds = array<i64: 128, 128>}, {transform_indices = @transform_6, window_bounds = array<i64: 1024, 128>}, {transform_indices = @transform_7, window_bounds = array<i64: 1024, 128>}]} {
    %get3A = arith.constant 0 : index
    %get3A_0 = arith.constant 0 : index
    %get3A_1 = arith.constant 0 : index
    %get3A_2 = vector.load %arg1[%get3A, %get3A_0, %get3A_1] : memref<2x1024x128xf32, #tpu.memory_space<vmem>>, vector<2x1024x128xf32>
    %slice3A = vector.extract_strided_slice %get3A_2 {offsets = [0, 0, 0], sizes = [1, 1024, 128], strides = [1, 1, 1]} : vector<2x1024x128xf32> to vector<1x1024x128xf32>
    %squeeze3A = vector.shape_cast %slice3A : vector<1x1024x128xf32> to vector<1024x128xf32>
    %slice3A_3 = vector.extract_strided_slice %get3A_2 {offsets = [1, 0, 0], sizes = [1, 1024, 128], strides = [1, 1, 1]} : vector<2x1024x128xf32> to vector<1x1024x128xf32>
    %squeeze3A_4 = vector.shape_cast %slice3A_3 : vector<1x1024x128xf32> to vector<1024x128xf32>
    %add3A = arith.addf %squeeze3A, %squeeze3A_4 : vector<1024x128xf32>
    %get3A_5 = arith.constant 0 : index
    %get3A_6 = arith.constant 0 : index
    %get3A_7 = vector.load %arg2[%get3A_5, %get3A_6] : memref<1024x128xf32, #tpu.memory_space<vmem>>, vector<1024x128xf32>
    %add3A_8 = arith.addf %add3A, %get3A_7 : vector<1024x128xf32>
    %get3A_9 = arith.constant 0 : index
    %get3A_10 = arith.constant 0 : index
    %get3A_11 = vector.load %arg3[%get3A_9, %get3A_10] : memref<1024x1xf32, #tpu.memory_space<vmem>>, vector<1024x1xf32>
    %mul3A = vector.broadcast %get3A_11 : vector<1024x1xf32> to vector<1024x128xf32>
    %mul3A_12 = arith.mulf %add3A_8, %mul3A : vector<1024x128xf32>
    %get3A_13 = arith.constant 0 : index
    %get3A_14 = vector.load %arg4[%get3A_13] : memref<128xf32, #tpu.memory_space<vmem>>, vector<128xf32>
    %broadcast_in_dim3A = vector.shape_cast %get3A_14 : vector<128xf32> to vector<1x128xf32>
    %add3A_15 = vector.broadcast %broadcast_in_dim3A : vector<1x128xf32> to vector<1024x128xf32>
    %add3A_16 = arith.addf %mul3A_12, %add3A_15 : vector<1024x128xf32>
    %get3A_17 = arith.constant 0 : index
    %get3A_18 = arith.constant 0 : index
    %get3A_19 = vector.load %arg5[%get3A_17, %get3A_18] : memref<128x128xf32, #tpu.memory_space<vmem>>, vector<128x128xf32>
    %dot_general3A = arith.constant dense<0.000000e+00> : vector<1024x128xf32>
    %dot_general3A_20 = tpu.matmul %add3A_16, %get3A_19, %dot_general3A {dimension_numbers = #tpu.dot_dimension_numbers<[1], [0], [0], [1], [0, 0, 1, 1], [], []>, transpose_lhs_hint = false} : vector<1024x128xf32>, vector<128x128xf32>, vector<1024x128xf32> -> vector<1024x128xf32>
    %swap3A = arith.constant 0 : index
    %swap3A_21 = arith.constant 0 : index
    %swap3A_22 = vector.load %arg7[%swap3A, %swap3A_21] : memref<1024x128xf32, #tpu.memory_space<vmem>>, vector<1024x128xf32>
    tpu.vector_store %arg7[%swap3A, %swap3A_21], %dot_general3A_20 {strides = array<i32>} : memref<1024x128xf32, #tpu.memory_space<vmem>>, vector<1024x128xf32>,
    %get3A_23 = arith.constant 0 : index
    %get3A_24 = arith.constant 0 : index
    %get3A_25 = vector.load %arg6[%get3A_23, %get3A_24] : memref<128x128xf32, #tpu.memory_space<vmem>>, vector<128x128xf32>
    %dot_general3A_26 = arith.constant dense<0.000000e+00> : vector<1024x128xf32>
    %dot_general3A_27 = tpu.matmul %add3A_16, %get3A_25, %dot_general3A_26 {dimension_numbers = #tpu.dot_dimension_numbers<[1], [0], [0], [1], [0, 0, 1, 1], [], []>, transpose_lhs_hint = false} : vector<1024x128xf32>, vector<128x128xf32>, vector<1024x128xf32> -> vector<1024x128xf32>
    %swap3A_28 = arith.constant 0 : index
    %swap3A_29 = arith.constant 0 : index
    %swap3A_30 = vector.load %arg8[%swap3A_28, %swap3A_29] : memref<1024x128xf32, #tpu.memory_space<vmem>>, vector<1024x128xf32>
    tpu.vector_store %arg8[%swap3A_28, %swap3A_29], %dot_general3A_27 {strides = array<i32>} : memref<1024x128xf32, #tpu.memory_space<vmem>>, vector<1024x128xf32>,
    return
  }
  func.func @transform_0(%arg0: i32) -> (i32, i32, i32) {
    %c0_i32 = arith.constant 0 : i32
    %c0_i32_0 = arith.constant 0 : i32
    %c0_i32_1 = arith.constant 0 : i32
    return %c0_i32, %arg0, %c0_i32_0 : i32, i32, i32
  }
  func.func @transform_1(%arg0: i32) -> (i32, i32) {
    %c0_i32 = arith.constant 0 : i32
    %c0_i32_0 = arith.constant 0 : i32
    return %arg0, %c0_i32 : i32, i32
  }
  func.func @transform_2(%arg0: i32) -> (i32, i32) {
    %c0_i32 = arith.constant 0 : i32
    %c0_i32_0 = arith.constant 0 : i32
    return %arg0, %c0_i32 : i32, i32
  }
  func.func @transform_3(%arg0: i32) -> i32 {
    %c0_i32 = arith.constant 0 : i32
    %c0_i32_0 = arith.constant 0 : i32
    return %c0_i32 : i32
  }
  func.func @transform_4(%arg0: i32) -> (i32, i32) {
    %c0_i32 = arith.constant 0 : i32
    %c0_i32_0 = arith.constant 0 : i32
    %c0_i32_1 = arith.constant 0 : i32
    return %c0_i32, %c0_i32_0 : i32, i32
  }
  func.func @transform_5(%arg0: i32) -> (i32, i32) {
    %c0_i32 = arith.constant 0 : i32
    %c0_i32_0 = arith.constant 0 : i32
    %c0_i32_1 = arith.constant 0 : i32
    return %c0_i32, %c0_i32_0 : i32, i32
  }
  func.func @transform_6(%arg0: i32) -> (i32, i32) {
    %c0_i32 = arith.constant 0 : i32
    %c0_i32_0 = arith.constant 0 : i32
    return %arg0, %c0_i32 : i32, i32
  }
  func.func @transform_7(%arg0: i32) -> (i32, i32) {
    %c0_i32 = arith.constant 0 : i32
    %c0_i32_0 = arith.constant 0 : i32
    return %arg0, %c0_i32 : i32, i32
  }
}

module attributes {stable_mosaic.version = 14 : i64} {
  func.func @body(%arg0: i32, %arg1: memref<2048x128xf32, #tpu.memory_space<vmem>>, %arg2: memref<2048x16xf32, #tpu.memory_space<vmem>>, %arg3: memref<16x128xf32, #tpu.memory_space<vmem>>, %arg4: memref<128xf32, #tpu.memory_space<vmem>>, %arg5: memref<128x64xf32, #tpu.memory_space<vmem>>, %arg6: memref<64xf32, #tpu.memory_space<vmem>>, %arg7: memref<64x128xf32, #tpu.memory_space<vmem>>, %arg8: memref<128xf32, #tpu.memory_space<vmem>>, %arg9: memref<128x64xf32, #tpu.memory_space<vmem>>, %arg10: memref<64xf32, #tpu.memory_space<vmem>>, %arg11: memref<64x1xf32, #tpu.memory_space<vmem>>, %arg12: memref<1xf32, #tpu.memory_space<vmem>>, %arg13: memref<2048x1xf32, #tpu.memory_space<vmem>>) attributes {dimension_semantics = [#tpu.dimension_semantics<arbitrary>], iteration_bounds = array<i64: 158>, scalar_prefetch = 0 : i64, scratch_operands = 0 : i64, tpu.core_type = #tpu.core_type<tc>, window_params = [{transform_indices = @transform_0, window_bounds = array<i64: 2048, 128>}, {transform_indices = @transform_1, window_bounds = array<i64: 2048, 16>}, {pipeline_mode = #tpu.pipeline_mode<synchronous>, transform_indices = @transform_2, window_bounds = array<i64: 16, 128>}, {pipeline_mode = #tpu.pipeline_mode<synchronous>, transform_indices = @transform_3, window_bounds = array<i64: 128>}, {pipeline_mode = #tpu.pipeline_mode<synchronous>, transform_indices = @transform_4, window_bounds = array<i64: 128, 64>}, {pipeline_mode = #tpu.pipeline_mode<synchronous>, transform_indices = @transform_5, window_bounds = array<i64: 64>}, {pipeline_mode = #tpu.pipeline_mode<synchronous>, transform_indices = @transform_6, window_bounds = array<i64: 64, 128>}, {pipeline_mode = #tpu.pipeline_mode<synchronous>, transform_indices = @transform_7, window_bounds = array<i64: 128>}, {pipeline_mode = #tpu.pipeline_mode<synchronous>, transform_indices = @transform_8, window_bounds = array<i64: 128, 64>}, {pipeline_mode = #tpu.pipeline_mode<synchronous>, transform_indices = @transform_9, window_bounds = array<i64: 64>}, {pipeline_mode = #tpu.pipeline_mode<synchronous>, transform_indices = @transform_10, window_bounds = array<i64: 64, 1>}, {pipeline_mode = #tpu.pipeline_mode<synchronous>, transform_indices = @transform_11, window_bounds = array<i64: 1>}, {transform_indices = @transform_12, window_bounds = array<i64: 2048, 1>}]} {
    %get3A = arith.constant 0 : index
    %get3A_0 = arith.constant 0 : index
    %get3A_1 = vector.load %arg2[%get3A, %get3A_0] : memref<2048x16xf32, #tpu.memory_space<vmem>>, vector<2048x16xf32>
    %get3A_2 = arith.constant 0 : index
    %get3A_3 = arith.constant 0 : index
    %get3A_4 = vector.load %arg3[%get3A_2, %get3A_3] : memref<16x128xf32, #tpu.memory_space<vmem>>, vector<16x128xf32>
    %dot_general3A = arith.constant dense<0.000000e+00> : vector<2048x128xf32>
    %dot_general3A_5 = tpu.matmul %get3A_1, %get3A_4, %dot_general3A {dimension_numbers = #tpu.dot_dimension_numbers<[1], [0], [0], [1], [0, 0, 1, 1], [], []>, transpose_lhs_hint = false} : vector<2048x16xf32>, vector<16x128xf32>, vector<2048x128xf32> -> vector<2048x128xf32>
    %get3A_6 = arith.constant 0 : index
    %get3A_7 = vector.load %arg4[%get3A_6] : memref<128xf32, #tpu.memory_space<vmem>>, vector<128xf32>
    %broadcast_in_dim3A = vector.shape_cast %get3A_7 : vector<128xf32> to vector<1x128xf32>
    %add3A = vector.broadcast %broadcast_in_dim3A : vector<1x128xf32> to vector<2048x128xf32>
    %add3A_8 = arith.addf %dot_general3A_5, %add3A : vector<2048x128xf32>
    %max3A = arith.constant 0.000000e+00 : f32
    %max3A_9 = vector.broadcast %max3A : f32 to vector<2048x128xf32>
    %max3A_10 = arith.maximumf %add3A_8, %max3A_9 : vector<2048x128xf32>
    %get3A_11 = arith.constant 0 : index
    %get3A_12 = arith.constant 0 : index
    %get3A_13 = vector.load %arg5[%get3A_11, %get3A_12] : memref<128x64xf32, #tpu.memory_space<vmem>>, vector<128x64xf32>
    %dot_general3A_14 = arith.constant dense<0.000000e+00> : vector<2048x64xf32>
    %dot_general3A_15 = tpu.matmul %max3A_10, %get3A_13, %dot_general3A_14 {dimension_numbers = #tpu.dot_dimension_numbers<[1], [0], [0], [1], [0, 0, 1, 1], [], []>, transpose_lhs_hint = false} : vector<2048x128xf32>, vector<128x64xf32>, vector<2048x64xf32> -> vector<2048x64xf32>
    %get3A_16 = arith.constant 0 : index
    %get3A_17 = vector.load %arg6[%get3A_16] : memref<64xf32, #tpu.memory_space<vmem>>, vector<64xf32>
    %broadcast_in_dim3A_18 = vector.shape_cast %get3A_17 : vector<64xf32> to vector<1x64xf32>
    %add3A_19 = vector.broadcast %broadcast_in_dim3A_18 : vector<1x64xf32> to vector<2048x64xf32>
    %add3A_20 = arith.addf %dot_general3A_15, %add3A_19 : vector<2048x64xf32>
    %max3A_21 = arith.constant 0.000000e+00 : f32
    %max3A_22 = vector.broadcast %max3A_21 : f32 to vector<2048x64xf32>
    %max3A_23 = arith.maximumf %add3A_20, %max3A_22 : vector<2048x64xf32>
    %get3A_24 = arith.constant 0 : index
    %get3A_25 = arith.constant 0 : index
    %get3A_26 = vector.load %arg1[%get3A_24, %get3A_25] : memref<2048x128xf32, #tpu.memory_space<vmem>>, vector<2048x128xf32>
    %get3A_27 = arith.constant 0 : index
    %get3A_28 = arith.constant 0 : index
    %get3A_29 = vector.load %arg7[%get3A_27, %get3A_28] : memref<64x128xf32, #tpu.memory_space<vmem>>, vector<64x128xf32>
    %dot_general3A_30 = arith.constant dense<0.000000e+00> : vector<2048x128xf32>
    %dot_general3A_31 = tpu.matmul %max3A_23, %get3A_29, %dot_general3A_30 {dimension_numbers = #tpu.dot_dimension_numbers<[1], [0], [0], [1], [0, 0, 1, 1], [], []>, transpose_lhs_hint = false} : vector<2048x64xf32>, vector<64x128xf32>, vector<2048x128xf32> -> vector<2048x128xf32>
    %add3A_32 = arith.addf %get3A_26, %dot_general3A_31 : vector<2048x128xf32>
    %get3A_33 = arith.constant 0 : index
    %get3A_34 = vector.load %arg8[%get3A_33] : memref<128xf32, #tpu.memory_space<vmem>>, vector<128xf32>
    %broadcast_in_dim3A_35 = vector.shape_cast %get3A_34 : vector<128xf32> to vector<1x128xf32>
    %add3A_36 = vector.broadcast %broadcast_in_dim3A_35 : vector<1x128xf32> to vector<2048x128xf32>
    %add3A_37 = arith.addf %add3A_32, %add3A_36 : vector<2048x128xf32>
    %max3A_38 = arith.constant 0.000000e+00 : f32
    %max3A_39 = vector.broadcast %max3A_38 : f32 to vector<2048x128xf32>
    %max3A_40 = arith.maximumf %add3A_37, %max3A_39 : vector<2048x128xf32>
    %get3A_41 = arith.constant 0 : index
    %get3A_42 = arith.constant 0 : index
    %get3A_43 = vector.load %arg9[%get3A_41, %get3A_42] : memref<128x64xf32, #tpu.memory_space<vmem>>, vector<128x64xf32>
    %dot_general3A_44 = arith.constant dense<0.000000e+00> : vector<2048x64xf32>
    %dot_general3A_45 = tpu.matmul %max3A_40, %get3A_43, %dot_general3A_44 {dimension_numbers = #tpu.dot_dimension_numbers<[1], [0], [0], [1], [0, 0, 1, 1], [], []>, transpose_lhs_hint = false} : vector<2048x128xf32>, vector<128x64xf32>, vector<2048x64xf32> -> vector<2048x64xf32>
    %get3A_46 = arith.constant 0 : index
    %get3A_47 = vector.load %arg10[%get3A_46] : memref<64xf32, #tpu.memory_space<vmem>>, vector<64xf32>
    %broadcast_in_dim3A_48 = vector.shape_cast %get3A_47 : vector<64xf32> to vector<1x64xf32>
    %add3A_49 = vector.broadcast %broadcast_in_dim3A_48 : vector<1x64xf32> to vector<2048x64xf32>
    %add3A_50 = arith.addf %dot_general3A_45, %add3A_49 : vector<2048x64xf32>
    %max3A_51 = arith.constant 0.000000e+00 : f32
    %max3A_52 = vector.broadcast %max3A_51 : f32 to vector<2048x64xf32>
    %max3A_53 = arith.maximumf %add3A_50, %max3A_52 : vector<2048x64xf32>
    %get3A_54 = arith.constant 0 : index
    %get3A_55 = arith.constant 0 : index
    %get3A_56 = vector.load %arg11[%get3A_54, %get3A_55] : memref<64x1xf32, #tpu.memory_space<vmem>>, vector<64x1xf32>
    %dot_general3A_57 = arith.constant dense<0.000000e+00> : vector<2048x1xf32>
    %dot_general3A_58 = tpu.matmul %max3A_53, %get3A_56, %dot_general3A_57 {dimension_numbers = #tpu.dot_dimension_numbers<[1], [0], [0], [1], [0, 0, 1, 1], [], []>, transpose_lhs_hint = false} : vector<2048x64xf32>, vector<64x1xf32>, vector<2048x1xf32> -> vector<2048x1xf32>
    %get3A_59 = arith.constant 0 : index
    %get3A_60 = vector.load %arg12[%get3A_59] : memref<1xf32, #tpu.memory_space<vmem>>, vector<1xf32>
    %broadcast_in_dim3A_61 = vector.shape_cast %get3A_60 : vector<1xf32> to vector<1x1xf32>
    %add3A_62 = vector.broadcast %broadcast_in_dim3A_61 : vector<1x1xf32> to vector<2048x1xf32>
    %add3A_63 = arith.addf %dot_general3A_58, %add3A_62 : vector<2048x1xf32>
    %swap3A = arith.constant 0 : index
    %swap3A_64 = arith.constant 0 : index
    %swap3A_65 = vector.load %arg13[%swap3A, %swap3A_64] : memref<2048x1xf32, #tpu.memory_space<vmem>>, vector<2048x1xf32>
    tpu.vector_store %arg13[%swap3A, %swap3A_64], %add3A_63 {strides = array<i32>} : memref<2048x1xf32, #tpu.memory_space<vmem>>, vector<2048x1xf32>,
    return
  }
  func.func @transform_0(%arg0: i32) -> (i32, i32) {
    %c0_i32 = arith.constant 0 : i32
    %c0_i32_0 = arith.constant 0 : i32
    return %arg0, %c0_i32 : i32, i32
  }
  func.func @transform_1(%arg0: i32) -> (i32, i32) {
    %c0_i32 = arith.constant 0 : i32
    %c0_i32_0 = arith.constant 0 : i32
    return %arg0, %c0_i32 : i32, i32
  }
  func.func @transform_2(%arg0: i32) -> (i32, i32) {
    %c0_i32 = arith.constant 0 : i32
    %c0_i32_0 = arith.constant 0 : i32
    %c0_i32_1 = arith.constant 0 : i32
    return %c0_i32, %c0_i32_0 : i32, i32
  }
  func.func @transform_3(%arg0: i32) -> i32 {
    %c0_i32 = arith.constant 0 : i32
    %c0_i32_0 = arith.constant 0 : i32
    return %c0_i32 : i32
  }
  func.func @transform_4(%arg0: i32) -> (i32, i32) {
    %c0_i32 = arith.constant 0 : i32
    %c0_i32_0 = arith.constant 0 : i32
    %c0_i32_1 = arith.constant 0 : i32
    return %c0_i32, %c0_i32_0 : i32, i32
  }
  func.func @transform_5(%arg0: i32) -> i32 {
    %c0_i32 = arith.constant 0 : i32
    %c0_i32_0 = arith.constant 0 : i32
    return %c0_i32 : i32
  }
  func.func @transform_6(%arg0: i32) -> (i32, i32) {
    %c0_i32 = arith.constant 0 : i32
    %c0_i32_0 = arith.constant 0 : i32
    %c0_i32_1 = arith.constant 0 : i32
    return %c0_i32, %c0_i32_0 : i32, i32
  }
  func.func @transform_7(%arg0: i32) -> i32 {
    %c0_i32 = arith.constant 0 : i32
    %c0_i32_0 = arith.constant 0 : i32
    return %c0_i32 : i32
  }
  func.func @transform_8(%arg0: i32) -> (i32, i32) {
    %c0_i32 = arith.constant 0 : i32
    %c0_i32_0 = arith.constant 0 : i32
    %c0_i32_1 = arith.constant 0 : i32
    return %c0_i32, %c0_i32_0 : i32, i32
  }
  func.func @transform_9(%arg0: i32) -> i32 {
    %c0_i32 = arith.constant 0 : i32
    %c0_i32_0 = arith.constant 0 : i32
    return %c0_i32 : i32
  }
  func.func @transform_10(%arg0: i32) -> (i32, i32) {
    %c0_i32 = arith.constant 0 : i32
    %c0_i32_0 = arith.constant 0 : i32
    %c0_i32_1 = arith.constant 0 : i32
    return %c0_i32, %c0_i32_0 : i32, i32
  }
  func.func @transform_11(%arg0: i32) -> i32 {
    %c0_i32 = arith.constant 0 : i32
    %c0_i32_0 = arith.constant 0 : i32
    return %c0_i32 : i32
  }
  func.func @transform_12(%arg0: i32) -> (i32, i32) {
    %c0_i32 = arith.constant 0 : i32
    %c0_i32_0 = arith.constant 0 : i32
    return %arg0, %c0_i32 : i32, i32
  }
}

</mosaic_0001>

<sc_bundles>
// kernel: kernel.12.cloned.1.call-start
scs
__scs_entry_jumppad:
0x0: {  	(pc) =	sbr.rel $0x88, $3  }
0x1: {  	(tag) =	ssettag $0x0;
	lr =	simm.s32 $0x1  }
0x2: {  	[smem:$0x3F8A] =	sst lr;
	_ =	strace $0xD0000000  }
0x3: {  	_ = 	snop  }
0x4: {  	_ = 	snop  }
0x5: {  	_ = 	snop  }
0x6: {  	_ = 	snop  }
0x7: {  	_ = 	snop  }
__scs_overlays_trampoline_lowered:
0x8: {  	[smem:$0x3F99] =	sst s0  }
0x9: {  	[smem:$0x3F9A] =	sst s1  }
0xa: {  	[smem:$0x3F9B] =	sst s2  }
0xb: {  	[smem:$0x3F9C] =	sst s3  }
0xc: {  	[smem:$0x3F9D] =	sst s4  }
0xd: {  	[smem:$0x3F9E] =	sst s5  }
0xe: {  	[smem:$0x3F9F] =	sst s6  }
0xf: {  	[smem:$0x3FA0] =	sst s7  }
0x10: {  	[smem:$0x3FA1] =	sst s8  }
0x11: {  	[smem:$0x3FA2] =	sst s9;
	s0 =	simm.s32 @!p0 $0x0  }
0x12: {  	s1 =	sld [smem:$0x3F88];
	s0 =	simm.s32 @p0 $0x1  }
0x13: {  	[smem:$0x3FA3] =	sst s0;
	s0 =	simm.s32 @!p1 $0x0  }
0x14: {  	s2 =	sld [smem:$0x3F87];
	s0 =	simm.s32 @p1 $0x1  }
0x15: {  	[smem:$0x3FA4] =	sst s0;
	s0 =	simm.s32 @!p2 $0x0  }
0x16: {  	s3 =	sld [smem:$0x3FDB];
	s0 =	simm.s32 @p2 $0x1  }
0x17: {  	s4 =	simm.s32 $0x1BF5;
	[smem:$0x3FA6] =	sst s0  }
0x18: {  	s0 =	sld [smem:$0x3F89];
	_ =	swait.ge [sflag:s4], $0x0  }
0x19: {  	s7 =	sld [smem:$0x3F8A]  }
0x1a: {  	s8 =	sadd.s32 $0xFFFFE003, lr  }
0x1b: {  	s9 =	sadd.s32 $0xFFFFFEF7, lr;
	s5 =	simm.s32 $0xFFFFFFFF;
	p2 =	slt.u32 s8, $0xFFFFF086  }
0x1c: {  	p1 =	slt.u32 s9, $0xF7A;
	s5 =	simm.s32 @!p2 $0x0  }
0x1d: {  	s5 =	simm.s32 @p1 $0x1;
	p0 =	seq.s32 s7, s2  }
0x1e: {  	s7 =	smul.u32 @!p0 $0xF7A, s2;
	p2 =	seq.s32 @!p0 s5, $0x0  }
0x1f: {  	s9 =	smul.u32 $0xF7A, s1;
	s8 =	simm.s32 @!p0 $0x1BF5;
	p2 =	por !p2, p0  }
0x20: {  	[sflag:s8] =	ssyncset.s32 @!p0 $0xFFFFF086;
	s6 =	sadd.s32 @!p0 s3, s7;
	s7 =	simm.s32 @!p0 $0x108  }
0x21: {  	s3 =	sadd.s32 s3, s9;
	s6 =	sadd.s32 @!p0 $0x88, s6;
	s7 =	simm.s32 @p2 $0x1082  }
0x22: {  	[simem:s7], [sflag:s8] =	dma.local @!p0 [hbm:s6], $0xF7A  }
0x23: {  	s9 =	sor.u32 $0xD0000000, s2;
	s6 =	simm.s32 $0x108;
	_ =	swait.ge @!p0 [sflag:s8], $0x0  }
0x24: {  	s3 =	sadd.s32 $0x88, s3;
	s6 =	simm.s32 @!p1 $0x1082;
	[sflag:s4] =	ssyncset.s32 $0xFFFFF086  }
0x25: {  	[simem:s6], [sflag:s4] =	dma.local [hbm:s3], $0xF7A  }
0x26: {  	[smem:$0x3F8A] =	sst s1;
	(tag) =	ssettag s2;
	_ =	strace s9  }
0x27: {  	s1 =	sld [smem:$0x3F9A]  }
0x28: {  	s2 =	sld [smem:$0x3F9B]  }
0x29: {  	s4 =	sld [smem:$0x3F9D]  }
0x2a: {  	p0 =	seq.s32 s5, $0x0;
	s5 =	sld [smem:$0x3F9E]  }
0x2b: {  	s6 =	sld [smem:$0x3F9F]  }
0x2c: {  	s7 =	sld [smem:$0x3FA0]  }
0x2d: {  	s3 =	simm.s32 $0x108;
	s8 =	sld [smem:$0x3FA1]  }
0x2e: {  	s3 =	simm.s32 @!p0 $0x1082;
	s9 =	sld [smem:$0x3FA2]  }
0x2f: {  	lr =	sadd.s32 s0, s3;
	s0 =	sld [smem:$0x3F99]  }
0x30: {  	s3 =	sld [smem:$0x3F9C]  }
0x31: {  	[smem:$0x3FA5] =	sst s10  }
0x32: {  	s10 =	sld [smem:$0x3FA3];
	_ =	sdelay $0x3  }
0x33: {  	p0 =	seq.s32 s10, $0x1;
	s10 =	sld [smem:$0x3FA5];
	_ =	sdelay $0x3  }
0x34: {  	[smem:$0x3FA5] =	sst s10  }
0x35: {  	s10 =	sld [smem:$0x3FA4];
	_ =	sdelay $0x3  }
0x36: {  	p1 =	seq.s32 s10, $0x1;
	s10 =	sld [smem:$0x3FA5];
	_ =	sdelay $0x3  }
0x37: {  	[smem:$0x3FA5] =	sst s10  }
0x38: {  	s10 =	sld [smem:$0x3FA6]  }
0x39: {  	_ = 	snop;
	(pc) =	sbr.ind lr, $3  }
0x3a: {  	_ = 	snop  }
0x3b: {  	_ = 	snop  }
0x3c: {  	p2 =	seq.s32 s10, $0x1;
	s10 =	sld [smem:$0x3FA5]  }
0x3d: {  	_ =	shalt  }
0x3e: {  	_ =	shalt  }
0x3f: {  	_ =	shalt  }
0x40: {  	_ =	shalt  }
0x41: {  	_ =	shalt  }
0x42: {  	_ =	shalt  }
0x43: {  	_ =	shalt  }
0x44: {  	_ =	shalt  }
0x45: {  	_ =	shalt  }
0x46: {  	_ =	shalt  }
0x47: {  	_ =	shalt  }
0x48: {  	_ =	shalt  }
0x49: {  	_ =	shalt  }
0x4a: {  	_ =	shalt  }
0x4b: {  	_ =	shalt  }
0x4c: {  	_ =	shalt  }
0x4d: {  	_ =	shalt  }
0x4e: {  	_ =	shalt  }
0x4f: {  	_ =	shalt  }
0x50: {  	_ =	shalt  }
0x51: {  	_ =	shalt  }
0x52: {  	_ =	shalt  }
0x53: {  	_ =	shalt  }
0x54: {  	_ =	shalt  }
0x55: {  	_ =	shalt  }
0x56: {  	_ =	shalt  }
0x57: {  	_ =	shalt  }
0x58: {  	_ =	shalt  }
0x59: {  	_ =	shalt  }
0x5a: {  	_ =	shalt  }
0x5b: {  	_ =	shalt  }
0x5c: {  	_ =	shalt  }
0x5d: {  	_ =	shalt  }
0x5e: {  	_ =	shalt  }
0x5f: {  	_ =	shalt  }
0x60: {  	_ =	shalt  }
0x61: {  	_ =	shalt  }
0x62: {  	_ =	shalt  }
0x63: {  	_ =	shalt  }
0x64: {  	_ =	shalt  }
0x65: {  	_ =	shalt  }
0x66: {  	_ =	shalt  }
0x67: {  	_ =	shalt  }
0x68: {  	_ =	shalt  }
0x69: {  	_ =	shalt  }
0x6a: {  	_ =	shalt  }
0x6b: {  	_ =	shalt  }
0x6c: {  	_ =	shalt  }
0x6d: {  	_ =	shalt  }
0x6e: {  	_ =	shalt  }
0x6f: {  	_ =	shalt  }
0x70: {  	_ =	shalt  }
0x71: {  	_ =	shalt  }
0x72: {  	_ =	shalt  }
0x73: {  	_ =	shalt  }
0x74: {  	_ =	shalt  }
0x75: {  	_ =	shalt  }
0x76: {  	_ =	shalt  }
0x77: {  	_ =	shalt  }
0x78: {  	_ =	shalt  }
0x79: {  	_ =	shalt  }
0x7a: {  	_ =	shalt  }
0x7b: {  	_ =	shalt  }
0x7c: {  	_ =	shalt  }
0x7d: {  	_ =	shalt  }
0x7e: {  	_ =	shalt  }
0x7f: {  	_ =	shalt  }
0x80: {  	_ =	shalt  }
0x81: {  	_ =	shalt  }
0x82: {  	_ =	shalt  }
0x83: {  	_ =	shalt  }
0x84: {  	_ =	shalt  }
0x85: {  	_ =	shalt  }
0x86: {  	_ =	shalt  }
0x87: {  	_ =	shalt  }
.Lfunc_end0:
.L_simem_size_0:
called_computation_lowered:
.L_overlay_start_0:
0x88: {  	s2 =	sld [smem:$0x3FD9]  }
0x89: {  	s3 =	sld [smem:$0x3FFE];
	_ =	sdelay $0x1  }
0x8a: {  	s1 =	srdreg.scid  }
0x8b: {  	s0 =	sand.u32 $0x1, s1  }
0x8c: {  	s17 =	sshll.u32 s0, $0xA;
	s2 =	sadd.s32 s3, s2  }
0x8d: {  	s2 =	sadd.s32 s2, s17  }
0x8e: {  	[smem:$0x3FB1] =	sst s2  }
0x8f: {  	_ = 	snop  }
0x90: {  	s2 =	sld [smem:$0x3FD0];
	(tm) =	ssettm $0x1  }
0x91: {  	s18 =	sld [smem:$0x3FFB];
	_ =	sdelay $0x3  }
0x92: {  	_ =	strace s18  }
0x93: {  	s3 =	sld [smem:$0x3FFC];
	_ =	sdelay $0x3  }
0x94: {  	_ =	strace s3  }
0x95: {  	s3 =	sld [smem:$0x3FFD];
	_ =	sdelay $0x3  }
0x96: {  	_ =	strace s3  }
0x97: {  	_ =	strace $0x8FFFFFFF  }
0x98: {  	s19 =	sld [smem:$0x3FDB];
	_ =	sdelay $0x1  }
0x99: {  	s4 =	simm.s32 $_scs_section_size  }
0x9a: {  	s5 =	simm.s32 $_size__tile_overlayer_lowered;
	s6 =	simm.s32 $_tile_overlayer_lowered  }
0x9b: {  	s22 =	simm.s32 $0x1BFF;
	s21 =	sshll.u32 s6, $0x1;
	s3 =	sadd.s32 s4, s19  }
0x9c: {  	s7 =	simm.s32 $0x0;
	s20 =	sshll.u32 s5, $0x1;
	s5 =	sadd.s32 s21, s3  }
0x9d: {  	[timem:s7], [sflag:s22] =	dma.local [hbm:s5], s20  }
0x9e: {  	_ =	swait.ge [sflag:s22], s20  }
0x9f: {  	s4 =	ssub.s32 $0x0, s20;
	[sflag:s22] =	ssyncset.done $0x0  }
0xa0: {  	[sflag:s22] =	ssyncadd.s32 s4;
	_ =	sdelay $0x1  }
0xa1: {  	s23 =	simm.s32 $0x1B8B  }
0xa2: {  	_ =	swait.ge [sflag:s23], $0x1  }
0xa3: {  	[sflag:s23] =	ssyncset.done $0x0  }
0xa4: {  	s25 =	simm.s32 $0x1B8E;
	s24 =	sld [smem:$0x3FFE];
	[sflag:s23] =	ssyncadd.s32 $0xFFFFFFFF  }
0xa5: {  	s26 =	simm.s32 $execute0_lowered;
	[smem:$0x3FD2] =	sst s25  }
0xa6: {  	s5 =	sshll.u32 s26, $0x1;
	_ =	strace $0x80000046;
	[dreg:$0x1] =	wrdreg $0xFFFFFFFF  }
0xa7: {  	s28 =	simm.s32 $_size_execute0_lowered;
	s3 =	sadd.s32 s3, s5;
	[dreg:$0x0] =	wrdreg $0x0  }
0xa8: {  	s5 =	sshll.u32 s28, $0x1;
	[dreg:$0x2] =	wrdreg s3  }
0xa9: {  	[dreg:$0x3] =	wrdreg s5  }
0xaa: {  	[dreg:$0x4] =	wrdreg $0xC0  }
0xab: {  	_ =	task [dreg:s7], $0x5FFFF  }
0xac: {  	[dreg:$0x1] =	wrdreg $0xFFFFFFFF  }
0xad: {  	[dreg:$0x0] =	wrdreg $0x60  }
0xae: {  	[dreg:$0x2] =	wrdreg s24  }
0xaf: {  	[dreg:$0x3] =	wrdreg s2  }
0xb0: {  	[dreg:$0x4] =	wrdreg $0x68000  }
0xb1: {  	[dreg:$0x5] =	wrdreg $0x9  }
0xb2: {  	_ =	task.clear_ibuf [dreg:s7], $0x6FFFF;
	_ =	strace $0x90000046  }
0xb3: {  	s29 =	simm.s32 $0x9;
	_ =	strace $0x80000048  }
0xb4: {  	_ =	swait.ge [sflag:s29], $0x1  }
0xb5: {  	[sflag:s29] =	ssyncadd.s32 $0xFFFFFFFF  }
0xb6: {  	_ =	strace $0x90000048  }
0xb7: {  	_ =	sfence  }
0xb8: {  	s30 =	sld [smem:$0x0];
	_ =	sdelay $0x2  }
0xb9: {  	s31 =	sshll.u32 s1, $0xD;
	s1 =	sshrl.u32 s1, $0x2  }
0xba: {  	s3 =	sand.u32 $0x4000, s31;
	s1 =	sadd.s32 s1, s30  }
0xbb: {  	s0 =	sor.u32 s3, s0;
	s1 =	sshll.u32 s1, $0x11  }
0xbc: {  	s0 =	sor.u32 s1, s0  }
0xbd: {  	s0 =	sadd.s32 $0x8F2B, s0  }
0xbe: {  	[sflag:s0] =	ssyncadd.remote.s32 $0x1  }
0xbf: {  	_ =	sfence.sel $0xFFFF  }
0xc0: {  	[dreg:$0x0] =	wrdreg $0xFFFFFFFF;
	(pc) =	sbr.abs _section_cstart, $3  }
0xc1: {  	[dreg:$0x1] =	wrdreg $0xFFFFFFFF  }
0xc2: {  	_ =	task.clear_ibuf [dreg:s7], $0x2FFFF;
	_ =	strace $0x9FFFFFFF  }
0xc3: {  	(tm) =	ssettm $0x7FFFFFFF  }
tec
execute0_lowered:
.L_overlay_start_1:
0x0: {  	(tag) =	ssettag $0x1  }
0x1: {  	s6 =	rddreg [dreg:$0x0]  }
0x2: {  	s2 =	rddreg [dreg:$0x1]  }
0x3: {  	s0 =	srdreg.scid;
	s3 =	rddreg [dreg:$0x2];
	s4 =	simm.s32 $0x0  }
0x4: {  	s13 =	simm.s32 $0x80;
	s5 =	sand.u32 $0x1, s0;
	s0 =	stileid.u32  }
0x5: {  	s14 =	simm.s32 $0x0;
	[smem:$0x7FF] =	sst s4;
	s8 =	smul.u32 $0x14000, s0  }
0x6: {  	s1 =	sshll.u32 s5, $0x4;
	s9 =	smul.u32 $0x140000, s5;
	s5 =	ssub.s32 $0x2, s5  }
0x7: {  	s29 =	smul.u32 $0x50000, s0;
	s31 =	sshll.u32 s0, $0x6;
	s1 =	sor.u32 s0, s1  }
0x8: {  	s11 =	sshrl.u32 s5, $0x1;
	s7 =	smul.u32 $0x500, s1;
	s1 =	rddreg [dreg:$0x3]  }
0x9: {  	_ =	strace $0x80000047;
	s10 =	sshrl.u32 s8, $0x3;
	s8 =	sadd.s32 s8, s9  }
0xa: {  	s11 =	ssub.s32 s5, s11;
	s30 =	sshrl.u32 s29, $0x2;
	s9 =	simm.s32 $0x1  }
0xb: {  	s10 =	sadd.s32 s10, s6;
	s8 =	sshrl.u32 s8, $0x3;
	s12 =	sadd.s32 s30, s3  }
0xc: {  	s7 =	sadd.s32 s7, s6;
	s8 =	sadd.s32 s8, s6;
	s6 =	sadd.s32 $0xEA00, s10  }
0xd: {  	s10 =	simm.s32 $0x2800;
	s12 =	sshrl.u32 s12, $0x3;
	s5 =	sadd.s32 $0x4A00, s7  }
0xe: {  	s7 =	sadd.s32 $0x36A00, s8;
	s8 =	smax.u32 s11, $0x1;
	s11 =	sor.u32 $0x1C01, s31  }
.LBB2_1:
0xf: {  	[tilespmem:s4], [sflag:$0x1] =	stream.linear.gather [hbm4b:s5+s4], $0x2780, $0x38;
	[tilespmem:$0x1A800] =	vst v63  }
0x10: {  	_ =	swait.ge [sflag:s9], $0x2780  }
0x11: {  	[sflag:s9] =	ssyncset.done $0x0  }
0x12: {  	[sflag:s9] =	ssyncadd.s32 $0xFFFFD880  }
0x13: {  	[tilespmem:s10], [sflag:$0x1] =	stream.linear.gather [hbm4b:s2+s4], $0x4000, $0x38;
	[tilespmem:$0x1A800] =	vst v63  }
0x14: {  	_ =	swait.ge [sflag:s9], $0x4000  }
0x15: {  	[sflag:s9] =	ssyncset.done $0x0  }
0x16: {  	[sflag:s9] =	ssyncadd.s32 $0xFFFFC000  }
0x17: {  	[spmem:s12], [sflag:s11] =	dma.local [hbm:s6], $0x2800  }
0x18: {  	_ =	swait.ge [sflag:s9], $0x2800  }
0x19: {  	[sflag:s9] =	ssyncset.done $0x0  }
0x1a: {  	[sflag:s9] =	ssyncadd.s32 $0xFFFFD800  }
0x1b: {  	s15 =	simm.s32 $0x0;
	[bflag:$0x0] =	sbarrier.arrive $0xFFFF  }
0x1c: {  	[spmem:s3] =	stream.indirect.scatter.add.f32 [tilespmem:s10], [sflag:$0x1], $0x80, s15, s13, $0xb8;
	[tilespmem:$0x1A800] =	vst v63  }
0x1d: {  	_ =	swait.ge [sflag:s9], $0x4000  }
0x1e: {  	s15 =	simm.s32 $0x200;
	[sflag:s9] =	ssyncset.done $0x0  }
.LBB2_2:
0x1f: {  	s16 =	sshra.s32 s15, $0x2;
	[sflag:s9] =	ssyncadd.s32 $0xFFFFC000;
	p0 =	sne.s32 s15, $0x9C00  }
0x20: {  	[spmem:s3] =	stream.indirect.scatter.add.f32 [tilespmem:s10], [sflag:$0x1], $0x80, s16, s13, $0xb8;
	[tilespmem:$0x1A800] =	vst v63  }
.Ltmp0:
0x21: {  	_ = 	snop;
	(pc) =	sbr.rel @p0 .LBB2_2-.Ltmp0, $4  }
0x22: {  	_ = 	snop  }
0x23: {  	s15 =	sadd.s32 $0x200, s15  }
0x24: {  	_ =	swait.ge [sflag:s9], $0x4000  }
0x25: {  	[sflag:s9] =	ssyncset.done $0x0  }
0x26: {  	s14 =	sadd.s32 $0x1, s14  }
0x27: {  	[sflag:s9] =	ssyncadd.s32 $0xFFFFC000;
	p0 =	sne.s32 s14, s8  }
.Ltmp1:
0x28: {  	[bflag:$0x0] =	sbarrier.arrive $0xFFFF;
	(pc) =	sbr.rel @p0 .LBB2_1-.Ltmp1, $4  }
0x29: {  	[hbm:s7], [sflag:s11] =	dma.local [spmem:s12], $0x2800  }
0x2a: {  	_ =	swait.ge [sflag:s9], $0x2800  }
0x2b: {  	[sflag:s9] =	ssyncset.done $0x0  }
0x2c: {  	[sflag:s9] =	ssyncadd.s32 $0xFFFFD800  }
0x2d: {  	_ =	sfence.sel $0x180000  }
0x2e: {  	[bflag:$0x0] =	sbarrier.arrive $0xFFFF  }
0x2f: {  	p0 =	sne.s32 s0, $0x0;
	_ =	strace $0x90000047  }
0x30: {  	s0 =	sadd.s32 @!p0 $0x100000, s1;
	[bflag:$0x2] =	sbarrier.arrive $0xFFFF  }
0x31: {  	[sflag:s0] =	ssyncadd.tile.s32 @!p0 $0x1;
	_ =	shalt  }
.Lfunc_end2:
_tile_overlayer_lowered:
.L_overlay_start_2:
0x32: {  	(tag) =	ssettag $0x2  }
0x33: {  	s0 =	rddreg [dreg:$0x0];
	s2 =	stileid.u32  }
0x34: {  	s1 =	rddreg [dreg:$0x1];
	p0 =	sne.s32 s2, $0x0  }
0x35: {  	s3 =	rddreg [dreg:$0x2];
	[bflag:$0x3] =	sbarrier.arrive $0xFFFF;
	s2 =	simm.s32 @!p0 $0x1C01  }
0x36: {  	[timem:s3], [sflag:s2] =	dma.local @!p0 [hbm:s0], s1  }
0x37: {  	s0 =	simm.s32 @!p0 $0x1  }
0x38: {  	_ =	swait.ge @!p0 [sflag:s0], s1  }
0x39: {  	s1 =	ssub.s32 @!p0 $0x0, s1;
	[sflag:s0] =	ssyncset.done @!p0 $0x0  }
0x3a: {  	[sflag:s0] =	ssyncadd.s32 @!p0 s1  }
0x3b: {  	[bflag:$0x3] =	sbarrier.arrive $0xFFFF  }
0x3c: {  	_ =	shalt  }

// kernel: kernel.15.cloned.1.call-start
scs
__scs_entry_jumppad:
0x0: {  	(pc) =	sbr.rel $0x88, $3  }
0x1: {  	(tag) =	ssettag $0x0;
	lr =	simm.s32 $0x1  }
0x2: {  	[smem:$0x3F8A] =	sst lr;
	_ =	strace $0xD0000000  }
0x3: {  	_ = 	snop  }
0x4: {  	_ = 	snop  }
0x5: {  	_ = 	snop  }
0x6: {  	_ = 	snop  }
0x7: {  	_ = 	snop  }
__scs_overlays_trampoline_lowered:
0x8: {  	[smem:$0x3F99] =	sst s0  }
0x9: {  	[smem:$0x3F9A] =	sst s1  }
0xa: {  	[smem:$0x3F9B] =	sst s2  }
0xb: {  	[smem:$0x3F9C] =	sst s3  }
0xc: {  	[smem:$0x3F9D] =	sst s4  }
0xd: {  	[smem:$0x3F9E] =	sst s5  }
0xe: {  	[smem:$0x3F9F] =	sst s6  }
0xf: {  	[smem:$0x3FA0] =	sst s7  }
0x10: {  	[smem:$0x3FA1] =	sst s8  }
0x11: {  	[smem:$0x3FA2] =	sst s9;
	s0 =	simm.s32 @!p0 $0x0  }
0x12: {  	s1 =	sld [smem:$0x3F88];
	s0 =	simm.s32 @p0 $0x1  }
0x13: {  	[smem:$0x3FA3] =	sst s0;
	s0 =	simm.s32 @!p1 $0x0  }
0x14: {  	s2 =	sld [smem:$0x3F87];
	s0 =	simm.s32 @p1 $0x1  }
0x15: {  	[smem:$0x3FA4] =	sst s0;
	s0 =	simm.s32 @!p2 $0x0  }
0x16: {  	s3 =	sld [smem:$0x3FDB];
	s0 =	simm.s32 @p2 $0x1  }
0x17: {  	s4 =	simm.s32 $0x1BF5;
	[smem:$0x3FA6] =	sst s0  }
0x18: {  	s0 =	sld [smem:$0x3F89];
	_ =	swait.ge [sflag:s4], $0x0  }
0x19: {  	s7 =	sld [smem:$0x3F8A]  }
0x1a: {  	s8 =	sadd.s32 $0xFFFFE003, lr  }
0x1b: {  	s9 =	sadd.s32 $0xFFFFFEF7, lr;
	s5 =	simm.s32 $0xFFFFFFFF;
	p2 =	slt.u32 s8, $0xFFFFF086  }
0x1c: {  	p1 =	slt.u32 s9, $0xF7A;
	s5 =	simm.s32 @!p2 $0x0  }
0x1d: {  	s5 =	simm.s32 @p1 $0x1;
	p0 =	seq.s32 s7, s2  }
0x1e: {  	s7 =	smul.u32 @!p0 $0xF7A, s2;
	p2 =	seq.s32 @!p0 s5, $0x0  }
0x1f: {  	s9 =	smul.u32 $0xF7A, s1;
	s8 =	simm.s32 @!p0 $0x1BF5;
	p2 =	por !p2, p0  }
0x20: {  	[sflag:s8] =	ssyncset.s32 @!p0 $0xFFFFF086;
	s6 =	sadd.s32 @!p0 s3, s7;
	s7 =	simm.s32 @!p0 $0x108  }
0x21: {  	s3 =	sadd.s32 s3, s9;
	s6 =	sadd.s32 @!p0 $0x88, s6;
	s7 =	simm.s32 @p2 $0x1082  }
0x22: {  	[simem:s7], [sflag:s8] =	dma.local @!p0 [hbm:s6], $0xF7A  }
0x23: {  	s9 =	sor.u32 $0xD0000000, s2;
	s6 =	simm.s32 $0x108;
	_ =	swait.ge @!p0 [sflag:s8], $0x0  }
0x24: {  	s3 =	sadd.s32 $0x88, s3;
	s6 =	simm.s32 @!p1 $0x1082;
	[sflag:s4] =	ssyncset.s32 $0xFFFFF086  }
0x25: {  	[simem:s6], [sflag:s4] =	dma.local [hbm:s3], $0xF7A  }
0x26: {  	[smem:$0x3F8A] =	sst s1;
	(tag) =	ssettag s2;
	_ =	strace s9  }
0x27: {  	s1 =	sld [smem:$0x3F9A]  }
0x28: {  	s2 =	sld [smem:$0x3F9B]  }
0x29: {  	s4 =	sld [smem:$0x3F9D]  }
0x2a: {  	p0 =	seq.s32 s5, $0x0;
	s5 =	sld [smem:$0x3F9E]  }
0x2b: {  	s6 =	sld [smem:$0x3F9F]  }
0x2c: {  	s7 =	sld [smem:$0x3FA0]  }
0x2d: {  	s3 =	simm.s32 $0x108;
	s8 =	sld [smem:$0x3FA1]  }
0x2e: {  	s3 =	simm.s32 @!p0 $0x1082;
	s9 =	sld [smem:$0x3FA2]  }
0x2f: {  	lr =	sadd.s32 s0, s3;
	s0 =	sld [smem:$0x3F99]  }
0x30: {  	s3 =	sld [smem:$0x3F9C]  }
0x31: {  	[smem:$0x3FA5] =	sst s10  }
0x32: {  	s10 =	sld [smem:$0x3FA3];
	_ =	sdelay $0x3  }
0x33: {  	p0 =	seq.s32 s10, $0x1;
	s10 =	sld [smem:$0x3FA5];
	_ =	sdelay $0x3  }
0x34: {  	[smem:$0x3FA5] =	sst s10  }
0x35: {  	s10 =	sld [smem:$0x3FA4];
	_ =	sdelay $0x3  }
0x36: {  	p1 =	seq.s32 s10, $0x1;
	s10 =	sld [smem:$0x3FA5];
	_ =	sdelay $0x3  }
0x37: {  	[smem:$0x3FA5] =	sst s10  }
0x38: {  	s10 =	sld [smem:$0x3FA6]  }
0x39: {  	_ = 	snop;
	(pc) =	sbr.ind lr, $3  }
0x3a: {  	_ = 	snop  }
0x3b: {  	_ = 	snop  }
0x3c: {  	p2 =	seq.s32 s10, $0x1;
	s10 =	sld [smem:$0x3FA5]  }
0x3d: {  	_ =	shalt  }
0x3e: {  	_ =	shalt  }
0x3f: {  	_ =	shalt  }
0x40: {  	_ =	shalt  }
0x41: {  	_ =	shalt  }
0x42: {  	_ =	shalt  }
0x43: {  	_ =	shalt  }
0x44: {  	_ =	shalt  }
0x45: {  	_ =	shalt  }
0x46: {  	_ =	shalt  }
0x47: {  	_ =	shalt  }
0x48: {  	_ =	shalt  }
0x49: {  	_ =	shalt  }
0x4a: {  	_ =	shalt  }
0x4b: {  	_ =	shalt  }
0x4c: {  	_ =	shalt  }
0x4d: {  	_ =	shalt  }
0x4e: {  	_ =	shalt  }
0x4f: {  	_ =	shalt  }
0x50: {  	_ =	shalt  }
0x51: {  	_ =	shalt  }
0x52: {  	_ =	shalt  }
0x53: {  	_ =	shalt  }
0x54: {  	_ =	shalt  }
0x55: {  	_ =	shalt  }
0x56: {  	_ =	shalt  }
0x57: {  	_ =	shalt  }
0x58: {  	_ =	shalt  }
0x59: {  	_ =	shalt  }
0x5a: {  	_ =	shalt  }
0x5b: {  	_ =	shalt  }
0x5c: {  	_ =	shalt  }
0x5d: {  	_ =	shalt  }
0x5e: {  	_ =	shalt  }
0x5f: {  	_ =	shalt  }
0x60: {  	_ =	shalt  }
0x61: {  	_ =	shalt  }
0x62: {  	_ =	shalt  }
0x63: {  	_ =	shalt  }
0x64: {  	_ =	shalt  }
0x65: {  	_ =	shalt  }
0x66: {  	_ =	shalt  }
0x67: {  	_ =	shalt  }
0x68: {  	_ =	shalt  }
0x69: {  	_ =	shalt  }
0x6a: {  	_ =	shalt  }
0x6b: {  	_ =	shalt  }
0x6c: {  	_ =	shalt  }
0x6d: {  	_ =	shalt  }
0x6e: {  	_ =	shalt  }
0x6f: {  	_ =	shalt  }
0x70: {  	_ =	shalt  }
0x71: {  	_ =	shalt  }
0x72: {  	_ =	shalt  }
0x73: {  	_ =	shalt  }
0x74: {  	_ =	shalt  }
0x75: {  	_ =	shalt  }
0x76: {  	_ =	shalt  }
0x77: {  	_ =	shalt  }
0x78: {  	_ =	shalt  }
0x79: {  	_ =	shalt  }
0x7a: {  	_ =	shalt  }
0x7b: {  	_ =	shalt  }
0x7c: {  	_ =	shalt  }
0x7d: {  	_ =	shalt  }
0x7e: {  	_ =	shalt  }
0x7f: {  	_ =	shalt  }
0x80: {  	_ =	shalt  }
0x81: {  	_ =	shalt  }
0x82: {  	_ =	shalt  }
0x83: {  	_ =	shalt  }
0x84: {  	_ =	shalt  }
0x85: {  	_ =	shalt  }
0x86: {  	_ =	shalt  }
0x87: {  	_ =	shalt  }
.Lfunc_end0:
.L_simem_size_0:
called_computation.1_lowered:
.L_overlay_start_0:
0x88: {  	s2 =	sld [smem:$0x3FD9]  }
0x89: {  	s3 =	sld [smem:$0x3FFE];
	_ =	sdelay $0x1  }
0x8a: {  	s1 =	srdreg.scid  }
0x8b: {  	s0 =	sand.u32 $0x1, s1  }
0x8c: {  	s16 =	sshll.u32 s0, $0xA;
	s2 =	sadd.s32 s3, s2  }
0x8d: {  	s2 =	sadd.s32 s2, s16  }
0x8e: {  	[smem:$0x3FB1] =	sst s2  }
0x8f: {  	_ = 	snop  }
0x90: {  	(tm) =	ssettm $0x1  }
0x91: {  	s17 =	sld [smem:$0x3FFB];
	_ =	sdelay $0x3  }
0x92: {  	_ =	strace s17  }
0x93: {  	s2 =	sld [smem:$0x3FFC];
	_ =	sdelay $0x3  }
0x94: {  	_ =	strace s2  }
0x95: {  	s2 =	sld [smem:$0x3FFD];
	_ =	sdelay $0x3  }
0x96: {  	_ =	strace s2  }
0x97: {  	_ =	strace $0x8FFFFFFF  }
0x98: {  	s18 =	sld [smem:$0x3FDB];
	_ =	sdelay $0x1  }
0x99: {  	s19 =	simm.s32 $_scs_section_size  }
0x9a: {  	s4 =	simm.s32 $_size__tile_overlayer_lowered;
	s5 =	simm.s32 $_tile_overlayer_lowered  }
0x9b: {  	s22 =	simm.s32 $0x1BFF;
	s21 =	sshll.u32 s5, $0x1;
	s2 =	sadd.s32 s19, s18  }
0x9c: {  	s6 =	simm.s32 $0x0;
	s20 =	sshll.u32 s4, $0x1;
	s4 =	sadd.s32 s21, s2  }
0x9d: {  	[timem:s6], [sflag:s22] =	dma.local [hbm:s4], s20  }
0x9e: {  	_ =	swait.ge [sflag:s22], s20  }
0x9f: {  	s3 =	ssub.s32 $0x0, s20;
	[sflag:s22] =	ssyncset.done $0x0  }
0xa0: {  	[sflag:s22] =	ssyncadd.s32 s3;
	_ =	sdelay $0x1  }
0xa1: {  	s23 =	simm.s32 $0x1B8B  }
0xa2: {  	_ =	swait.ge [sflag:s23], $0x1  }
0xa3: {  	[sflag:s23] =	ssyncset.done $0x0  }
0xa4: {  	s25 =	simm.s32 $0x1B8E;
	s24 =	sld [smem:$0x3FFE];
	[sflag:s23] =	ssyncadd.s32 $0xFFFFFFFF  }
0xa5: {  	s26 =	simm.s32 $execute0_lowered;
	[smem:$0x3FD2] =	sst s25  }
0xa6: {  	s4 =	sshll.u32 s26, $0x1;
	_ =	strace $0x80000049;
	[dreg:$0x1] =	wrdreg $0xFFFFFFFF  }
0xa7: {  	s28 =	simm.s32 $_size_execute0_lowered;
	s2 =	sadd.s32 s2, s4;
	[dreg:$0x0] =	wrdreg $0x0  }
0xa8: {  	s4 =	sshll.u32 s28, $0x1;
	[dreg:$0x2] =	wrdreg s2  }
0xa9: {  	[dreg:$0x3] =	wrdreg s4  }
0xaa: {  	[dreg:$0x4] =	wrdreg $0xC0  }
0xab: {  	_ =	task [dreg:s6], $0x5FFFF  }
0xac: {  	[dreg:$0x1] =	wrdreg $0xFFFFFFFF  }
0xad: {  	[dreg:$0x0] =	wrdreg $0x60  }
0xae: {  	[dreg:$0x2] =	wrdreg s24  }
0xaf: {  	[dreg:$0x3] =	wrdreg $0x90000  }
0xb0: {  	[dreg:$0x4] =	wrdreg $0x9  }
0xb1: {  	_ =	task.clear_ibuf [dreg:s6], $0x5FFFF;
	_ =	strace $0x90000049  }
0xb2: {  	s29 =	simm.s32 $0x9;
	_ =	strace $0x8000004B  }
0xb3: {  	_ =	swait.ge [sflag:s29], $0x1  }
0xb4: {  	[sflag:s29] =	ssyncadd.s32 $0xFFFFFFFF  }
0xb5: {  	_ =	strace $0x9000004B  }
0xb6: {  	_ =	sfence  }
0xb7: {  	s30 =	sld [smem:$0x0];
	_ =	sdelay $0x2  }
0xb8: {  	s31 =	sshll.u32 s1, $0xD;
	s1 =	sshrl.u32 s1, $0x2  }
0xb9: {  	s3 =	sand.u32 $0x4000, s31;
	s1 =	sadd.s32 s1, s30  }
0xba: {  	s0 =	sor.u32 s3, s0;
	s1 =	sshll.u32 s1, $0x11  }
0xbb: {  	s0 =	sor.u32 s1, s0  }
0xbc: {  	s0 =	sadd.s32 $0x8F2B, s0  }
0xbd: {  	[sflag:s0] =	ssyncadd.remote.s32 $0x1  }
0xbe: {  	_ =	sfence.sel $0xFFFF  }
0xbf: {  	[dreg:$0x0] =	wrdreg $0xFFFFFFFF;
	(pc) =	sbr.abs _section_cstart, $3  }
0xc0: {  	[dreg:$0x1] =	wrdreg $0xFFFFFFFF  }
0xc1: {  	_ =	task.clear_ibuf [dreg:s6], $0x2FFFF;
	_ =	strace $0x9FFFFFFF  }
0xc2: {  	(tm) =	ssettm $0x7FFFFFFF  }
0xc3: {  	_ =	shalt  }
tec
execute0_lowered:
.L_overlay_start_1:
0x0: {  	(tag) =	ssettag $0x1  }
0x1: {  	s0 =	srdreg.scid;
	s6 =	rddreg [dreg:$0x0]  }
0x2: {  	s2 =	rddreg [dreg:$0x1];
	s3 =	simm.s32 $0x0;
	s14 =	simm.s32 $0x80  }
0x3: {  	s15 =	simm.s32 $0x5000;
	s5 =	sand.u32 $0x1, s0;
	s0 =	stileid.u32  }
0x4: {  	s16 =	simm.s32 $0x1;
	s17 =	simm.s32 $0x0;
	s8 =	smul.u32 $0x14000, s0  }
0x5: {  	[smem:$0x7FF] =	sst s3;
	s1 =	sshll.u32 s5, $0x4;
	s9 =	smul.u32 $0x140000, s5  }
0x6: {  	s5 =	ssub.s32 $0x2, s5;
	s31 =	smul.u32 $0x50000, s0;
	s12 =	sshll.u32 s0, $0x6  }
0x7: {  	s4 =	sor.u32 s0, s1;
	s1 =	rddreg [dreg:$0x2];
	_ =	strace $0x8000004A  }
0x8: {  	s11 =	sshrl.u32 s5, $0x1;
	s12 =	sor.u32 $0x1C02, s12;
	s7 =	smul.u32 $0x500, s4  }
0x9: {  	s4 =	sadd.s32 $0x36A00, s6;
	s10 =	sshrl.u32 s8, $0x3;
	s8 =	sadd.s32 s8, s9  }
0xa: {  	s11 =	ssub.s32 s5, s11;
	s9 =	sshrl.u32 s31, $0x2;
	s10 =	sadd.s32 s10, s6  }
0xb: {  	s8 =	sshrl.u32 s8, $0x3;
	s13 =	sadd.s32 s9, s2;
	s9 =	smax.u32 s11, $0x1  }
0xc: {  	s11 =	simm.s32 $0x2800;
	s7 =	sadd.s32 s7, s6;
	s8 =	sadd.s32 s8, s6  }
0xd: {  	s13 =	sshrl.u32 s13, $0x3;
	s5 =	sadd.s32 $0x86A00, s7;
	s6 =	sadd.s32 $0x4A00, s7  }
0xe: {  	s7 =	sadd.s32 $0xEA00, s10;
	s8 =	sadd.s32 $0x90A00, s8;
	s10 =	simm.s32 $0x2  }
.LBB2_1:
0xf: {  	[tilespmem:s3], [sflag:$0x2] =	stream.linear.gather [hbm4b:s5+s3], $0x2780, $0x38;
	[tilespmem:$0x1D000] =	vst v63  }
0x10: {  	_ =	swait.ge [sflag:s10], $0x2780  }
0x11: {  	[sflag:s10] =	ssyncset.done $0x0  }
0x12: {  	[sflag:s10] =	ssyncadd.s32 $0xFFFFD880  }
0x13: {  	[tilespmem:s11], [sflag:$0x2] =	stream.linear.gather [hbm4b:s6+s3], $0x2780, $0x38;
	[tilespmem:$0x1D000] =	vst v63  }
0x14: {  	_ =	swait.ge [sflag:s10], $0x2780  }
0x15: {  	[sflag:s10] =	ssyncset.done $0x0  }
0x16: {  	[sflag:s10] =	ssyncadd.s32 $0xFFFFD880  }
0x17: {  	[spmem:s13], [sflag:s12] =	dma.local [hbm:s7], $0x2800  }
0x18: {  	_ =	swait.ge [sflag:s10], $0x2800  }
0x19: {  	[sflag:s10] =	ssyncset.done $0x0  }
0x1a: {  	[sflag:s10] =	ssyncadd.s32 $0xFFFFD800  }
0x1b: {  	s18 =	simm.s32 $0x0;
	[bflag:$0x0] =	sbarrier.arrive $0xFFFF  }
0x1c: {  	[tilespmem:s15], [sflag:$0x1] =	stream.indirect.gather [hbm4b:s4+s14], $0x80, s18, s14, $0xb8;
	[tilespmem:$0x1D000] =	vst v63  }
0x1d: {  	_ =	swait.ge [sflag:s16], $0x4000  }
0x1e: {  	[sflag:s16] =	ssyncset.done $0x0  }
0x1f: {  	s31 =	simm.s32 $0x2800;
	[sflag:s16] =	ssyncadd.s32 $0xFFFFC000  }
0x20: {  	[spmem:s2] =	stream.indirect.scatter.add.f32 [tilespmem:s15], [sflag:$0x2], $0x80, s31, s14, $0xb8;
	[tilespmem:$0x1D000] =	vst v63  }
0x21: {  	_ =	swait.ge [sflag:s10], $0x4000  }
0x22: {  	s19 =	simm.s32 $0x400;
	s18 =	simm.s32 $0x200;
	[sflag:s10] =	ssyncset.done $0x0  }
.LBB2_2:
0x23: {  	s20 =	sshra.s32 s18, $0x2  }
0x24: {  	[sflag:s10] =	ssyncadd.s32 $0xFFFFC000;
	s18 =	smov.u32 s19;
	s21 =	sadd.s32 $0x200, s19  }
0x25: {  	[tilespmem:s15], [sflag:$0x1] =	stream.indirect.gather [hbm4b:s4+s14], $0x80, s20, s14, $0xb8;
	[tilespmem:$0x1D000] =	vst v63  }
0x26: {  	p0 =	sne.s32 s19, $0x9C00;
	_ =	swait.ge [sflag:s16], $0x4000  }
.Ltmp0:
0x27: {  	[sflag:s16] =	ssyncset.done $0x0;
	(pc) =	sbr.rel @p0 .LBB2_2-.Ltmp0, $4  }
0x28: {  	s19 =	sadd.s32 $0x2800, s20;
	[sflag:s16] =	ssyncadd.s32 $0xFFFFC000  }
0x29: {  	[spmem:s2] =	stream.indirect.scatter.add.f32 [tilespmem:s15], [sflag:$0x2], $0x80, s19, s14, $0xb8;
	[tilespmem:$0x1D000] =	vst v63  }
0x2a: {  	_ =	swait.ge [sflag:s10], $0x4000  }
0x2b: {  	s19 =	smov.u32 s21;
	[sflag:s10] =	ssyncset.done $0x0  }
0x2c: {  	s18 =	sshra.s32 s18, $0x2;
	[sflag:s10] =	ssyncadd.s32 $0xFFFFC000  }
0x2d: {  	[tilespmem:s15], [sflag:$0x1] =	stream.indirect.gather [hbm4b:s4+s14], $0x80, s18, s14, $0xb8;
	[tilespmem:$0x1D000] =	vst v63  }
0x2e: {  	_ =	swait.ge [sflag:s16], $0x4000  }
0x2f: {  	[sflag:s16] =	ssyncset.done $0x0  }
0x30: {  	s18 =	sadd.s32 $0x2800, s18;
	[sflag:s16] =	ssyncadd.s32 $0xFFFFC000  }
0x31: {  	[spmem:s2] =	stream.indirect.scatter.add.f32 [tilespmem:s15], [sflag:$0x2], $0x80, s18, s14, $0xb8;
	[tilespmem:$0x1D000] =	vst v63  }
0x32: {  	_ =	swait.ge [sflag:s10], $0x4000  }
0x33: {  	s17 =	sadd.s32 $0x1, s17;
	[sflag:s10] =	ssyncset.done $0x0  }
0x34: {  	p0 =	sne.s32 s17, s9;
	[sflag:s10] =	ssyncadd.s32 $0xFFFFC000  }
.Ltmp1:
0x35: {  	[bflag:$0x0] =	sbarrier.arrive $0xFFFF;
	(pc) =	sbr.rel @p0 .LBB2_1-.Ltmp1, $4  }
0x36: {  	[hbm:s8], [sflag:s12] =	dma.local [spmem:s13], $0x2800  }
0x37: {  	_ =	swait.ge [sflag:s10], $0x2800  }
0x38: {  	[sflag:s10] =	ssyncset.done $0x0  }
0x39: {  	[sflag:s10] =	ssyncadd.s32 $0xFFFFD800  }
0x3a: {  	_ =	sfence.sel $0x180000  }
0x3b: {  	[bflag:$0x0] =	sbarrier.arrive $0xFFFF  }
0x3c: {  	p0 =	sne.s32 s0, $0x0;
	_ =	strace $0x9000004A  }
0x3d: {  	s0 =	sadd.s32 @!p0 $0x100000, s1;
	[bflag:$0x2] =	sbarrier.arrive $0xFFFF  }
0x3e: {  	[sflag:s0] =	ssyncadd.tile.s32 @!p0 $0x1;
	_ =	shalt  }
.Lfunc_end2:
_tile_overlayer_lowered:
.L_overlay_start_2:
0x3f: {  	(tag) =	ssettag $0x2  }
0x40: {  	s0 =	rddreg [dreg:$0x0];
	s2 =	stileid.u32  }
0x41: {  	s1 =	rddreg [dreg:$0x1];
	p0 =	sne.s32 s2, $0x0  }
0x42: {  	s3 =	rddreg [dreg:$0x2];
	[bflag:$0x3] =	sbarrier.arrive $0xFFFF;
	s2 =	simm.s32 @!p0 $0x1C02  }
0x43: {  	[timem:s3], [sflag:s2] =	dma.local @!p0 [hbm:s0], s1  }
0x44: {  	s0 =	simm.s32 @!p0 $0x2  }
0x45: {  	_ =	swait.ge @!p0 [sflag:s0], s1  }
0x46: {  	s1 =	ssub.s32 @!p0 $0x0, s1;
	[sflag:s0] =	ssyncset.done @!p0 $0x0  }
0x47: {  	[sflag:s0] =	ssyncadd.s32 @!p0 s1  }
0x48: {  	[bflag:$0x3] =	sbarrier.arrive $0xFFFF  }
0x49: {  	_ =	shalt  }

// kernel: kernel.18.cloned.1.call-start
scs
__scs_entry_jumppad:
0x0: {  	(pc) =	sbr.rel $0x88, $3  }
0x1: {  	(tag) =	ssettag $0x0;
	lr =	simm.s32 $0x1  }
0x2: {  	[smem:$0x3F8A] =	sst lr;
	_ =	strace $0xD0000000  }
0x3: {  	_ = 	snop  }
0x4: {  	_ = 	snop  }
0x5: {  	_ = 	snop  }
0x6: {  	_ = 	snop  }
0x7: {  	_ = 	snop  }
__scs_overlays_trampoline_lowered:
0x8: {  	[smem:$0x3F99] =	sst s0  }
0x9: {  	[smem:$0x3F9A] =	sst s1  }
0xa: {  	[smem:$0x3F9B] =	sst s2  }
0xb: {  	[smem:$0x3F9C] =	sst s3  }
0xc: {  	[smem:$0x3F9D] =	sst s4  }
0xd: {  	[smem:$0x3F9E] =	sst s5  }
0xe: {  	[smem:$0x3F9F] =	sst s6  }
0xf: {  	[smem:$0x3FA0] =	sst s7  }
0x10: {  	[smem:$0x3FA1] =	sst s8  }
0x11: {  	[smem:$0x3FA2] =	sst s9;
	s0 =	simm.s32 @!p0 $0x0  }
0x12: {  	s1 =	sld [smem:$0x3F88];
	s0 =	simm.s32 @p0 $0x1  }
0x13: {  	[smem:$0x3FA3] =	sst s0;
	s0 =	simm.s32 @!p1 $0x0  }
0x14: {  	s2 =	sld [smem:$0x3F87];
	s0 =	simm.s32 @p1 $0x1  }
0x15: {  	[smem:$0x3FA4] =	sst s0;
	s0 =	simm.s32 @!p2 $0x0  }
0x16: {  	s3 =	sld [smem:$0x3FDB];
	s0 =	simm.s32 @p2 $0x1  }
0x17: {  	s4 =	simm.s32 $0x1BF5;
	[smem:$0x3FA6] =	sst s0  }
0x18: {  	s0 =	sld [smem:$0x3F89];
	_ =	swait.ge [sflag:s4], $0x0  }
0x19: {  	s7 =	sld [smem:$0x3F8A]  }
0x1a: {  	s8 =	sadd.s32 $0xFFFFE003, lr  }
0x1b: {  	s9 =	sadd.s32 $0xFFFFFEF7, lr;
	s5 =	simm.s32 $0xFFFFFFFF;
	p2 =	slt.u32 s8, $0xFFFFF086  }
0x1c: {  	p1 =	slt.u32 s9, $0xF7A;
	s5 =	simm.s32 @!p2 $0x0  }
0x1d: {  	s5 =	simm.s32 @p1 $0x1;
	p0 =	seq.s32 s7, s2  }
0x1e: {  	s7 =	smul.u32 @!p0 $0xF7A, s2;
	p2 =	seq.s32 @!p0 s5, $0x0  }
0x1f: {  	s9 =	smul.u32 $0xF7A, s1;
	s8 =	simm.s32 @!p0 $0x1BF5;
	p2 =	por !p2, p0  }
0x20: {  	[sflag:s8] =	ssyncset.s32 @!p0 $0xFFFFF086;
	s6 =	sadd.s32 @!p0 s3, s7;
	s7 =	simm.s32 @!p0 $0x108  }
0x21: {  	s3 =	sadd.s32 s3, s9;
	s6 =	sadd.s32 @!p0 $0x88, s6;
	s7 =	simm.s32 @p2 $0x1082  }
0x22: {  	[simem:s7], [sflag:s8] =	dma.local @!p0 [hbm:s6], $0xF7A  }
0x23: {  	s9 =	sor.u32 $0xD0000000, s2;
	s6 =	simm.s32 $0x108;
	_ =	swait.ge @!p0 [sflag:s8], $0x0  }
0x24: {  	s3 =	sadd.s32 $0x88, s3;
	s6 =	simm.s32 @!p1 $0x1082;
	[sflag:s4] =	ssyncset.s32 $0xFFFFF086  }
0x25: {  	[simem:s6], [sflag:s4] =	dma.local [hbm:s3], $0xF7A  }
0x26: {  	[smem:$0x3F8A] =	sst s1;
	(tag) =	ssettag s2;
	_ =	strace s9  }
0x27: {  	s1 =	sld [smem:$0x3F9A]  }
0x28: {  	s2 =	sld [smem:$0x3F9B]  }
0x29: {  	s4 =	sld [smem:$0x3F9D]  }
0x2a: {  	p0 =	seq.s32 s5, $0x0;
	s5 =	sld [smem:$0x3F9E]  }
0x2b: {  	s6 =	sld [smem:$0x3F9F]  }
0x2c: {  	s7 =	sld [smem:$0x3FA0]  }
0x2d: {  	s3 =	simm.s32 $0x108;
	s8 =	sld [smem:$0x3FA1]  }
0x2e: {  	s3 =	simm.s32 @!p0 $0x1082;
	s9 =	sld [smem:$0x3FA2]  }
0x2f: {  	lr =	sadd.s32 s0, s3;
	s0 =	sld [smem:$0x3F99]  }
0x30: {  	s3 =	sld [smem:$0x3F9C]  }
0x31: {  	[smem:$0x3FA5] =	sst s10  }
0x32: {  	s10 =	sld [smem:$0x3FA3];
	_ =	sdelay $0x3  }
0x33: {  	p0 =	seq.s32 s10, $0x1;
	s10 =	sld [smem:$0x3FA5];
	_ =	sdelay $0x3  }
0x34: {  	[smem:$0x3FA5] =	sst s10  }
0x35: {  	s10 =	sld [smem:$0x3FA4];
	_ =	sdelay $0x3  }
0x36: {  	p1 =	seq.s32 s10, $0x1;
	s10 =	sld [smem:$0x3FA5];
	_ =	sdelay $0x3  }
0x37: {  	[smem:$0x3FA5] =	sst s10  }
0x38: {  	s10 =	sld [smem:$0x3FA6]  }
0x39: {  	_ = 	snop;
	(pc) =	sbr.ind lr, $3  }
0x3a: {  	_ = 	snop  }
0x3b: {  	_ = 	snop  }
0x3c: {  	p2 =	seq.s32 s10, $0x1;
	s10 =	sld [smem:$0x3FA5]  }
0x3d: {  	_ =	shalt  }
0x3e: {  	_ =	shalt  }
0x3f: {  	_ =	shalt  }
0x40: {  	_ =	shalt  }
0x41: {  	_ =	shalt  }
0x42: {  	_ =	shalt  }
0x43: {  	_ =	shalt  }
0x44: {  	_ =	shalt  }
0x45: {  	_ =	shalt  }
0x46: {  	_ =	shalt  }
0x47: {  	_ =	shalt  }
0x48: {  	_ =	shalt  }
0x49: {  	_ =	shalt  }
0x4a: {  	_ =	shalt  }
0x4b: {  	_ =	shalt  }
0x4c: {  	_ =	shalt  }
0x4d: {  	_ =	shalt  }
0x4e: {  	_ =	shalt  }
0x4f: {  	_ =	shalt  }
0x50: {  	_ =	shalt  }
0x51: {  	_ =	shalt  }
0x52: {  	_ =	shalt  }
0x53: {  	_ =	shalt  }
0x54: {  	_ =	shalt  }
0x55: {  	_ =	shalt  }
0x56: {  	_ =	shalt  }
0x57: {  	_ =	shalt  }
0x58: {  	_ =	shalt  }
0x59: {  	_ =	shalt  }
0x5a: {  	_ =	shalt  }
0x5b: {  	_ =	shalt  }
0x5c: {  	_ =	shalt  }
0x5d: {  	_ =	shalt  }
0x5e: {  	_ =	shalt  }
0x5f: {  	_ =	shalt  }
0x60: {  	_ =	shalt  }
0x61: {  	_ =	shalt  }
0x62: {  	_ =	shalt  }
0x63: {  	_ =	shalt  }
0x64: {  	_ =	shalt  }
0x65: {  	_ =	shalt  }
0x66: {  	_ =	shalt  }
0x67: {  	_ =	shalt  }
0x68: {  	_ =	shalt  }
0x69: {  	_ =	shalt  }
0x6a: {  	_ =	shalt  }
0x6b: {  	_ =	shalt  }
0x6c: {  	_ =	shalt  }
0x6d: {  	_ =	shalt  }
0x6e: {  	_ =	shalt  }
0x6f: {  	_ =	shalt  }
0x70: {  	_ =	shalt  }
0x71: {  	_ =	shalt  }
0x72: {  	_ =	shalt  }
0x73: {  	_ =	shalt  }
0x74: {  	_ =	shalt  }
0x75: {  	_ =	shalt  }
0x76: {  	_ =	shalt  }
0x77: {  	_ =	shalt  }
0x78: {  	_ =	shalt  }
0x79: {  	_ =	shalt  }
0x7a: {  	_ =	shalt  }
0x7b: {  	_ =	shalt  }
0x7c: {  	_ =	shalt  }
0x7d: {  	_ =	shalt  }
0x7e: {  	_ =	shalt  }
0x7f: {  	_ =	shalt  }
0x80: {  	_ =	shalt  }
0x81: {  	_ =	shalt  }
0x82: {  	_ =	shalt  }
0x83: {  	_ =	shalt  }
0x84: {  	_ =	shalt  }
0x85: {  	_ =	shalt  }
0x86: {  	_ =	shalt  }
0x87: {  	_ =	shalt  }
.Lfunc_end0:
.L_simem_size_0:
called_computation.2_lowered:
.L_overlay_start_0:
0x88: {  	s2 =	sld [smem:$0x3FD9]  }
0x89: {  	s3 =	sld [smem:$0x3FFE];
	_ =	sdelay $0x1  }
0x8a: {  	s1 =	srdreg.scid  }
0x8b: {  	s0 =	sand.u32 $0x1, s1  }
0x8c: {  	s16 =	sshll.u32 s0, $0xA;
	s2 =	sadd.s32 s3, s2  }
0x8d: {  	s2 =	sadd.s32 s2, s16  }
0x8e: {  	[smem:$0x3FB1] =	sst s2  }
0x8f: {  	_ = 	snop  }
0x90: {  	(tm) =	ssettm $0x1  }
0x91: {  	s17 =	sld [smem:$0x3FFB];
	_ =	sdelay $0x3  }
0x92: {  	_ =	strace s17  }
0x93: {  	s2 =	sld [smem:$0x3FFC];
	_ =	sdelay $0x3  }
0x94: {  	_ =	strace s2  }
0x95: {  	s2 =	sld [smem:$0x3FFD];
	_ =	sdelay $0x3  }
0x96: {  	_ =	strace s2  }
0x97: {  	_ =	strace $0x8FFFFFFF  }
0x98: {  	s18 =	sld [smem:$0x3FDB];
	_ =	sdelay $0x1  }
0x99: {  	s19 =	simm.s32 $_scs_section_size  }
0x9a: {  	s4 =	simm.s32 $_size__tile_overlayer_lowered;
	s5 =	simm.s32 $_tile_overlayer_lowered  }
0x9b: {  	s22 =	simm.s32 $0x1BFF;
	s21 =	sshll.u32 s5, $0x1;
	s2 =	sadd.s32 s19, s18  }
0x9c: {  	s6 =	simm.s32 $0x0;
	s20 =	sshll.u32 s4, $0x1;
	s4 =	sadd.s32 s21, s2  }
0x9d: {  	[timem:s6], [sflag:s22] =	dma.local [hbm:s4], s20  }
0x9e: {  	_ =	swait.ge [sflag:s22], s20  }
0x9f: {  	s3 =	ssub.s32 $0x0, s20;
	[sflag:s22] =	ssyncset.done $0x0  }
0xa0: {  	[sflag:s22] =	ssyncadd.s32 s3;
	_ =	sdelay $0x1  }
0xa1: {  	s23 =	simm.s32 $0x1B8B  }
0xa2: {  	_ =	swait.ge [sflag:s23], $0x1  }
0xa3: {  	[sflag:s23] =	ssyncset.done $0x0  }
0xa4: {  	s25 =	simm.s32 $0x1B8E;
	s24 =	sld [smem:$0x3FFE];
	[sflag:s23] =	ssyncadd.s32 $0xFFFFFFFF  }
0xa5: {  	s26 =	simm.s32 $execute0_lowered;
	[smem:$0x3FD2] =	sst s25  }
0xa6: {  	s4 =	sshll.u32 s26, $0x1;
	_ =	strace $0x8000004C;
	[dreg:$0x1] =	wrdreg $0xFFFFFFFF  }
0xa7: {  	s28 =	simm.s32 $_size_execute0_lowered;
	s2 =	sadd.s32 s2, s4;
	[dreg:$0x0] =	wrdreg $0x0  }
0xa8: {  	s4 =	sshll.u32 s28, $0x1;
	[dreg:$0x2] =	wrdreg s2  }
0xa9: {  	[dreg:$0x3] =	wrdreg s4  }
0xaa: {  	[dreg:$0x4] =	wrdreg $0xC0  }
0xab: {  	_ =	task [dreg:s6], $0x5FFFF  }
0xac: {  	[dreg:$0x1] =	wrdreg $0xFFFFFFFF  }
0xad: {  	[dreg:$0x0] =	wrdreg $0x60  }
0xae: {  	[dreg:$0x2] =	wrdreg s24  }
0xaf: {  	[dreg:$0x3] =	wrdreg $0x90000  }
0xb0: {  	[dreg:$0x4] =	wrdreg $0x9  }
0xb1: {  	_ =	task.clear_ibuf [dreg:s6], $0x5FFFF;
	_ =	strace $0x9000004C  }
0xb2: {  	s29 =	simm.s32 $0x9;
	_ =	strace $0x8000004E  }
0xb3: {  	_ =	swait.ge [sflag:s29], $0x1  }
0xb4: {  	[sflag:s29] =	ssyncadd.s32 $0xFFFFFFFF  }
0xb5: {  	_ =	strace $0x9000004E  }
0xb6: {  	_ =	sfence  }
0xb7: {  	s30 =	sld [smem:$0x0];
	_ =	sdelay $0x2  }
0xb8: {  	s31 =	sshll.u32 s1, $0xD;
	s1 =	sshrl.u32 s1, $0x2  }
0xb9: {  	s3 =	sand.u32 $0x4000, s31;
	s1 =	sadd.s32 s1, s30  }
0xba: {  	s0 =	sor.u32 s3, s0;
	s1 =	sshll.u32 s1, $0x11  }
0xbb: {  	s0 =	sor.u32 s1, s0  }
0xbc: {  	s0 =	sadd.s32 $0x8F2B, s0  }
0xbd: {  	[sflag:s0] =	ssyncadd.remote.s32 $0x1  }
0xbe: {  	_ =	sfence.sel $0xFFFF  }
0xbf: {  	[dreg:$0x0] =	wrdreg $0xFFFFFFFF;
	(pc) =	sbr.abs _section_cstart, $3  }
0xc0: {  	[dreg:$0x1] =	wrdreg $0xFFFFFFFF  }
0xc1: {  	_ =	task.clear_ibuf [dreg:s6], $0x2FFFF;
	_ =	strace $0x9FFFFFFF  }
0xc2: {  	(tm) =	ssettm $0x7FFFFFFF  }
0xc3: {  	_ =	shalt  }
tec
execute0_lowered:
.L_overlay_start_1:
0x0: {  	(tag) =	ssettag $0x1  }
0x1: {  	s0 =	srdreg.scid;
	s6 =	rddreg [dreg:$0x0]  }
0x2: {  	s2 =	rddreg [dreg:$0x1];
	s3 =	simm.s32 $0x0;
	s14 =	simm.s32 $0x80  }
0x3: {  	s15 =	simm.s32 $0x5000;
	s5 =	sand.u32 $0x1, s0;
	s0 =	stileid.u32  }
0x4: {  	s16 =	simm.s32 $0x1;
	s17 =	simm.s32 $0x0;
	s8 =	smul.u32 $0x14000, s0  }
0x5: {  	[smem:$0x7FF] =	sst s3;
	s1 =	sshll.u32 s5, $0x4;
	s9 =	smul.u32 $0x140000, s5  }
0x6: {  	s5 =	ssub.s32 $0x2, s5;
	s31 =	smul.u32 $0x50000, s0;
	s12 =	sshll.u32 s0, $0x6  }
0x7: {  	s4 =	sor.u32 s0, s1;
	s1 =	rddreg [dreg:$0x2];
	_ =	strace $0x8000004D  }
0x8: {  	s11 =	sshrl.u32 s5, $0x1;
	s12 =	sor.u32 $0x1C02, s12;
	s7 =	smul.u32 $0x500, s4  }
0x9: {  	s4 =	sadd.s32 $0x36A00, s6;
	s10 =	sshrl.u32 s8, $0x3;
	s8 =	sadd.s32 s8, s9  }
0xa: {  	s11 =	ssub.s32 s5, s11;
	s9 =	sshrl.u32 s31, $0x2;
	s10 =	sadd.s32 s10, s6  }
0xb: {  	s8 =	sshrl.u32 s8, $0x3;
	s13 =	sadd.s32 s9, s2;
	s9 =	smax.u32 s11, $0x1  }
0xc: {  	s11 =	simm.s32 $0x2800;
	s7 =	sadd.s32 s7, s6;
	s8 =	sadd.s32 s8, s6  }
0xd: {  	s13 =	sshrl.u32 s13, $0x3;
	s5 =	sadd.s32 $0x86A00, s7;
	s6 =	sadd.s32 $0x4A00, s7  }
0xe: {  	s7 =	sadd.s32 $0xEA00, s10;
	s8 =	sadd.s32 $0x90A00, s8;
	s10 =	simm.s32 $0x2  }
.LBB2_1:
0xf: {  	[tilespmem:s3], [sflag:$0x2] =	stream.linear.gather [hbm4b:s5+s3], $0x2780, $0x38;
	[tilespmem:$0x1D000] =	vst v63  }
0x10: {  	_ =	swait.ge [sflag:s10], $0x2780  }
0x11: {  	[sflag:s10] =	ssyncset.done $0x0  }
0x12: {  	[sflag:s10] =	ssyncadd.s32 $0xFFFFD880  }
0x13: {  	[tilespmem:s11], [sflag:$0x2] =	stream.linear.gather [hbm4b:s6+s3], $0x2780, $0x38;
	[tilespmem:$0x1D000] =	vst v63  }
0x14: {  	_ =	swait.ge [sflag:s10], $0x2780  }
0x15: {  	[sflag:s10] =	ssyncset.done $0x0  }
0x16: {  	[sflag:s10] =	ssyncadd.s32 $0xFFFFD880  }
0x17: {  	[spmem:s13], [sflag:s12] =	dma.local [hbm:s7], $0x2800  }
0x18: {  	_ =	swait.ge [sflag:s10], $0x2800  }
0x19: {  	[sflag:s10] =	ssyncset.done $0x0  }
0x1a: {  	[sflag:s10] =	ssyncadd.s32 $0xFFFFD800  }
0x1b: {  	s18 =	simm.s32 $0x0;
	[bflag:$0x0] =	sbarrier.arrive $0xFFFF  }
0x1c: {  	[tilespmem:s15], [sflag:$0x1] =	stream.indirect.gather [hbm4b:s4+s14], $0x80, s18, s14, $0xb8;
	[tilespmem:$0x1D000] =	vst v63  }
0x1d: {  	_ =	swait.ge [sflag:s16], $0x4000  }
0x1e: {  	[sflag:s16] =	ssyncset.done $0x0  }
0x1f: {  	s31 =	simm.s32 $0x2800;
	[sflag:s16] =	ssyncadd.s32 $0xFFFFC000  }
0x20: {  	[spmem:s2] =	stream.indirect.scatter.add.f32 [tilespmem:s15], [sflag:$0x2], $0x80, s31, s14, $0xb8;
	[tilespmem:$0x1D000] =	vst v63  }
0x21: {  	_ =	swait.ge [sflag:s10], $0x4000  }
0x22: {  	s19 =	simm.s32 $0x400;
	s18 =	simm.s32 $0x200;
	[sflag:s10] =	ssyncset.done $0x0  }
.LBB2_2:
0x23: {  	s20 =	sshra.s32 s18, $0x2  }
0x24: {  	[sflag:s10] =	ssyncadd.s32 $0xFFFFC000;
	s18 =	smov.u32 s19;
	s21 =	sadd.s32 $0x200, s19  }
0x25: {  	[tilespmem:s15], [sflag:$0x1] =	stream.indirect.gather [hbm4b:s4+s14], $0x80, s20, s14, $0xb8;
	[tilespmem:$0x1D000] =	vst v63  }
0x26: {  	p0 =	sne.s32 s19, $0x9C00;
	_ =	swait.ge [sflag:s16], $0x4000  }
.Ltmp0:
0x27: {  	[sflag:s16] =	ssyncset.done $0x0;
	(pc) =	sbr.rel @p0 .LBB2_2-.Ltmp0, $4  }
0x28: {  	s19 =	sadd.s32 $0x2800, s20;
	[sflag:s16] =	ssyncadd.s32 $0xFFFFC000  }
0x29: {  	[spmem:s2] =	stream.indirect.scatter.add.f32 [tilespmem:s15], [sflag:$0x2], $0x80, s19, s14, $0xb8;
	[tilespmem:$0x1D000] =	vst v63  }
0x2a: {  	_ =	swait.ge [sflag:s10], $0x4000  }
0x2b: {  	s19 =	smov.u32 s21;
	[sflag:s10] =	ssyncset.done $0x0  }
0x2c: {  	s18 =	sshra.s32 s18, $0x2;
	[sflag:s10] =	ssyncadd.s32 $0xFFFFC000  }
0x2d: {  	[tilespmem:s15], [sflag:$0x1] =	stream.indirect.gather [hbm4b:s4+s14], $0x80, s18, s14, $0xb8;
	[tilespmem:$0x1D000] =	vst v63  }
0x2e: {  	_ =	swait.ge [sflag:s16], $0x4000  }
0x2f: {  	[sflag:s16] =	ssyncset.done $0x0  }
0x30: {  	s18 =	sadd.s32 $0x2800, s18;
	[sflag:s16] =	ssyncadd.s32 $0xFFFFC000  }
0x31: {  	[spmem:s2] =	stream.indirect.scatter.add.f32 [tilespmem:s15], [sflag:$0x2], $0x80, s18, s14, $0xb8;
	[tilespmem:$0x1D000] =	vst v63  }
0x32: {  	_ =	swait.ge [sflag:s10], $0x4000  }
0x33: {  	s17 =	sadd.s32 $0x1, s17;
	[sflag:s10] =	ssyncset.done $0x0  }
0x34: {  	p0 =	sne.s32 s17, s9;
	[sflag:s10] =	ssyncadd.s32 $0xFFFFC000  }
.Ltmp1:
0x35: {  	[bflag:$0x0] =	sbarrier.arrive $0xFFFF;
	(pc) =	sbr.rel @p0 .LBB2_1-.Ltmp1, $4  }
0x36: {  	[hbm:s8], [sflag:s12] =	dma.local [spmem:s13], $0x2800  }
0x37: {  	_ =	swait.ge [sflag:s10], $0x2800  }
0x38: {  	[sflag:s10] =	ssyncset.done $0x0  }
0x39: {  	[sflag:s10] =	ssyncadd.s32 $0xFFFFD800  }
0x3a: {  	_ =	sfence.sel $0x180000  }
0x3b: {  	[bflag:$0x0] =	sbarrier.arrive $0xFFFF  }
0x3c: {  	p0 =	sne.s32 s0, $0x0;
	_ =	strace $0x9000004D  }
0x3d: {  	s0 =	sadd.s32 @!p0 $0x100000, s1;
	[bflag:$0x2] =	sbarrier.arrive $0xFFFF  }
0x3e: {  	[sflag:s0] =	ssyncadd.tile.s32 @!p0 $0x1;
	_ =	shalt  }
.Lfunc_end2:
_tile_overlayer_lowered:
.L_overlay_start_2:
0x3f: {  	(tag) =	ssettag $0x2  }
0x40: {  	s0 =	rddreg [dreg:$0x0];
	s2 =	stileid.u32  }
0x41: {  	s1 =	rddreg [dreg:$0x1];
	p0 =	sne.s32 s2, $0x0  }
0x42: {  	s3 =	rddreg [dreg:$0x2];
	[bflag:$0x3] =	sbarrier.arrive $0xFFFF;
	s2 =	simm.s32 @!p0 $0x1C02  }
0x43: {  	[timem:s3], [sflag:s2] =	dma.local @!p0 [hbm:s0], s1  }
0x44: {  	s0 =	simm.s32 @!p0 $0x2  }
0x45: {  	_ =	swait.ge @!p0 [sflag:s0], s1  }
0x46: {  	s1 =	ssub.s32 @!p0 $0x0, s1;
	[sflag:s0] =	ssyncset.done @!p0 $0x0  }
0x47: {  	[sflag:s0] =	ssyncadd.s32 @!p0 s1  }
0x48: {  	[bflag:$0x3] =	sbarrier.arrive $0xFFFF  }
0x49: {  	_ =	shalt  }

// kernel: kernel.21.cloned.1.call-start
scs
__scs_entry_jumppad:
0x0: {  	(pc) =	sbr.rel $0x88, $3  }
0x1: {  	(tag) =	ssettag $0x0;
	lr =	simm.s32 $0x1  }
0x2: {  	[smem:$0x3F8A] =	sst lr;
	_ =	strace $0xD0000000  }
0x3: {  	_ = 	snop  }
0x4: {  	_ = 	snop  }
0x5: {  	_ = 	snop  }
0x6: {  	_ = 	snop  }
0x7: {  	_ = 	snop  }
__scs_overlays_trampoline_lowered:
0x8: {  	[smem:$0x3F99] =	sst s0  }
0x9: {  	[smem:$0x3F9A] =	sst s1  }
0xa: {  	[smem:$0x3F9B] =	sst s2  }
0xb: {  	[smem:$0x3F9C] =	sst s3  }
0xc: {  	[smem:$0x3F9D] =	sst s4  }
0xd: {  	[smem:$0x3F9E] =	sst s5  }
0xe: {  	[smem:$0x3F9F] =	sst s6  }
0xf: {  	[smem:$0x3FA0] =	sst s7  }
0x10: {  	[smem:$0x3FA1] =	sst s8  }
0x11: {  	[smem:$0x3FA2] =	sst s9;
	s0 =	simm.s32 @!p0 $0x0  }
0x12: {  	s1 =	sld [smem:$0x3F88];
	s0 =	simm.s32 @p0 $0x1  }
0x13: {  	[smem:$0x3FA3] =	sst s0;
	s0 =	simm.s32 @!p1 $0x0  }
0x14: {  	s2 =	sld [smem:$0x3F87];
	s0 =	simm.s32 @p1 $0x1  }
0x15: {  	[smem:$0x3FA4] =	sst s0;
	s0 =	simm.s32 @!p2 $0x0  }
0x16: {  	s3 =	sld [smem:$0x3FDB];
	s0 =	simm.s32 @p2 $0x1  }
0x17: {  	s4 =	simm.s32 $0x1BF5;
	[smem:$0x3FA6] =	sst s0  }
0x18: {  	s0 =	sld [smem:$0x3F89];
	_ =	swait.ge [sflag:s4], $0x0  }
0x19: {  	s7 =	sld [smem:$0x3F8A]  }
0x1a: {  	s8 =	sadd.s32 $0xFFFFE003, lr  }
0x1b: {  	s9 =	sadd.s32 $0xFFFFFEF7, lr;
	s5 =	simm.s32 $0xFFFFFFFF;
	p2 =	slt.u32 s8, $0xFFFFF086  }
0x1c: {  	p1 =	slt.u32 s9, $0xF7A;
	s5 =	simm.s32 @!p2 $0x0  }
0x1d: {  	s5 =	simm.s32 @p1 $0x1;
	p0 =	seq.s32 s7, s2  }
0x1e: {  	s7 =	smul.u32 @!p0 $0xF7A, s2;
	p2 =	seq.s32 @!p0 s5, $0x0  }
0x1f: {  	s9 =	smul.u32 $0xF7A, s1;
	s8 =	simm.s32 @!p0 $0x1BF5;
	p2 =	por !p2, p0  }
0x20: {  	[sflag:s8] =	ssyncset.s32 @!p0 $0xFFFFF086;
	s6 =	sadd.s32 @!p0 s3, s7;
	s7 =	simm.s32 @!p0 $0x108  }
0x21: {  	s3 =	sadd.s32 s3, s9;
	s6 =	sadd.s32 @!p0 $0x88, s6;
	s7 =	simm.s32 @p2 $0x1082  }
0x22: {  	[simem:s7], [sflag:s8] =	dma.local @!p0 [hbm:s6], $0xF7A  }
0x23: {  	s9 =	sor.u32 $0xD0000000, s2;
	s6 =	simm.s32 $0x108;
	_ =	swait.ge @!p0 [sflag:s8], $0x0  }
0x24: {  	s3 =	sadd.s32 $0x88, s3;
	s6 =	simm.s32 @!p1 $0x1082;
	[sflag:s4] =	ssyncset.s32 $0xFFFFF086  }
0x25: {  	[simem:s6], [sflag:s4] =	dma.local [hbm:s3], $0xF7A  }
0x26: {  	[smem:$0x3F8A] =	sst s1;
	(tag) =	ssettag s2;
	_ =	strace s9  }
0x27: {  	s1 =	sld [smem:$0x3F9A]  }
0x28: {  	s2 =	sld [smem:$0x3F9B]  }
0x29: {  	s4 =	sld [smem:$0x3F9D]  }
0x2a: {  	p0 =	seq.s32 s5, $0x0;
	s5 =	sld [smem:$0x3F9E]  }
0x2b: {  	s6 =	sld [smem:$0x3F9F]  }
0x2c: {  	s7 =	sld [smem:$0x3FA0]  }
0x2d: {  	s3 =	simm.s32 $0x108;
	s8 =	sld [smem:$0x3FA1]  }
0x2e: {  	s3 =	simm.s32 @!p0 $0x1082;
	s9 =	sld [smem:$0x3FA2]  }
0x2f: {  	lr =	sadd.s32 s0, s3;
	s0 =	sld [smem:$0x3F99]  }
0x30: {  	s3 =	sld [smem:$0x3F9C]  }
0x31: {  	[smem:$0x3FA5] =	sst s10  }
0x32: {  	s10 =	sld [smem:$0x3FA3];
	_ =	sdelay $0x3  }
0x33: {  	p0 =	seq.s32 s10, $0x1;
	s10 =	sld [smem:$0x3FA5];
	_ =	sdelay $0x3  }
0x34: {  	[smem:$0x3FA5] =	sst s10  }
0x35: {  	s10 =	sld [smem:$0x3FA4];
	_ =	sdelay $0x3  }
0x36: {  	p1 =	seq.s32 s10, $0x1;
	s10 =	sld [smem:$0x3FA5];
	_ =	sdelay $0x3  }
0x37: {  	[smem:$0x3FA5] =	sst s10  }
0x38: {  	s10 =	sld [smem:$0x3FA6]  }
0x39: {  	_ = 	snop;
	(pc) =	sbr.ind lr, $3  }
0x3a: {  	_ = 	snop  }
0x3b: {  	_ = 	snop  }
0x3c: {  	p2 =	seq.s32 s10, $0x1;
	s10 =	sld [smem:$0x3FA5]  }
0x3d: {  	_ =	shalt  }
0x3e: {  	_ =	shalt  }
0x3f: {  	_ =	shalt  }
0x40: {  	_ =	shalt  }
0x41: {  	_ =	shalt  }
0x42: {  	_ =	shalt  }
0x43: {  	_ =	shalt  }
0x44: {  	_ =	shalt  }
0x45: {  	_ =	shalt  }
0x46: {  	_ =	shalt  }
0x47: {  	_ =	shalt  }
0x48: {  	_ =	shalt  }
0x49: {  	_ =	shalt  }
0x4a: {  	_ =	shalt  }
0x4b: {  	_ =	shalt  }
0x4c: {  	_ =	shalt  }
0x4d: {  	_ =	shalt  }
0x4e: {  	_ =	shalt  }
0x4f: {  	_ =	shalt  }
0x50: {  	_ =	shalt  }
0x51: {  	_ =	shalt  }
0x52: {  	_ =	shalt  }
0x53: {  	_ =	shalt  }
0x54: {  	_ =	shalt  }
0x55: {  	_ =	shalt  }
0x56: {  	_ =	shalt  }
0x57: {  	_ =	shalt  }
0x58: {  	_ =	shalt  }
0x59: {  	_ =	shalt  }
0x5a: {  	_ =	shalt  }
0x5b: {  	_ =	shalt  }
0x5c: {  	_ =	shalt  }
0x5d: {  	_ =	shalt  }
0x5e: {  	_ =	shalt  }
0x5f: {  	_ =	shalt  }
0x60: {  	_ =	shalt  }
0x61: {  	_ =	shalt  }
0x62: {  	_ =	shalt  }
0x63: {  	_ =	shalt  }
0x64: {  	_ =	shalt  }
0x65: {  	_ =	shalt  }
0x66: {  	_ =	shalt  }
0x67: {  	_ =	shalt  }
0x68: {  	_ =	shalt  }
0x69: {  	_ =	shalt  }
0x6a: {  	_ =	shalt  }
0x6b: {  	_ =	shalt  }
0x6c: {  	_ =	shalt  }
0x6d: {  	_ =	shalt  }
0x6e: {  	_ =	shalt  }
0x6f: {  	_ =	shalt  }
0x70: {  	_ =	shalt  }
0x71: {  	_ =	shalt  }
0x72: {  	_ =	shalt  }
0x73: {  	_ =	shalt  }
0x74: {  	_ =	shalt  }
0x75: {  	_ =	shalt  }
0x76: {  	_ =	shalt  }
0x77: {  	_ =	shalt  }
0x78: {  	_ =	shalt  }
0x79: {  	_ =	shalt  }
0x7a: {  	_ =	shalt  }
0x7b: {  	_ =	shalt  }
0x7c: {  	_ =	shalt  }
0x7d: {  	_ =	shalt  }
0x7e: {  	_ =	shalt  }
0x7f: {  	_ =	shalt  }
0x80: {  	_ =	shalt  }
0x81: {  	_ =	shalt  }
0x82: {  	_ =	shalt  }
0x83: {  	_ =	shalt  }
0x84: {  	_ =	shalt  }
0x85: {  	_ =	shalt  }
0x86: {  	_ =	shalt  }
0x87: {  	_ =	shalt  }
.Lfunc_end0:
.L_simem_size_0:
called_computation.3_lowered:
.L_overlay_start_0:
0x88: {  	s2 =	sld [smem:$0x3FD9]  }
0x89: {  	s3 =	sld [smem:$0x3FFE];
	_ =	sdelay $0x1  }
0x8a: {  	s1 =	srdreg.scid  }
0x8b: {  	s0 =	sand.u32 $0x1, s1  }
0x8c: {  	s16 =	sshll.u32 s0, $0xA;
	s2 =	sadd.s32 s3, s2  }
0x8d: {  	s2 =	sadd.s32 s2, s16  }
0x8e: {  	[smem:$0x3FB1] =	sst s2  }
0x8f: {  	_ = 	snop  }
0x90: {  	(tm) =	ssettm $0x1  }
0x91: {  	s17 =	sld [smem:$0x3FFB];
	_ =	sdelay $0x3  }
0x92: {  	_ =	strace s17  }
0x93: {  	s2 =	sld [smem:$0x3FFC];
	_ =	sdelay $0x3  }
0x94: {  	_ =	strace s2  }
0x95: {  	s2 =	sld [smem:$0x3FFD];
	_ =	sdelay $0x3  }
0x96: {  	_ =	strace s2  }
0x97: {  	_ =	strace $0x8FFFFFFF  }
0x98: {  	s18 =	sld [smem:$0x3FDB];
	_ =	sdelay $0x1  }
0x99: {  	s19 =	simm.s32 $_scs_section_size  }
0x9a: {  	s4 =	simm.s32 $_size__tile_overlayer_lowered;
	s5 =	simm.s32 $_tile_overlayer_lowered  }
0x9b: {  	s22 =	simm.s32 $0x1BFF;
	s21 =	sshll.u32 s5, $0x1;
	s2 =	sadd.s32 s19, s18  }
0x9c: {  	s6 =	simm.s32 $0x0;
	s20 =	sshll.u32 s4, $0x1;
	s4 =	sadd.s32 s21, s2  }
0x9d: {  	[timem:s6], [sflag:s22] =	dma.local [hbm:s4], s20  }
0x9e: {  	_ =	swait.ge [sflag:s22], s20  }
0x9f: {  	s3 =	ssub.s32 $0x0, s20;
	[sflag:s22] =	ssyncset.done $0x0  }
0xa0: {  	[sflag:s22] =	ssyncadd.s32 s3;
	_ =	sdelay $0x1  }
0xa1: {  	s23 =	simm.s32 $0x1B8B  }
0xa2: {  	_ =	swait.ge [sflag:s23], $0x1  }
0xa3: {  	[sflag:s23] =	ssyncset.done $0x0  }
0xa4: {  	s25 =	simm.s32 $0x1B8E;
	s24 =	sld [smem:$0x3FFE];
	[sflag:s23] =	ssyncadd.s32 $0xFFFFFFFF  }
0xa5: {  	s26 =	simm.s32 $execute0_lowered;
	[smem:$0x3FD2] =	sst s25  }
0xa6: {  	s4 =	sshll.u32 s26, $0x1;
	_ =	strace $0x8000004F;
	[dreg:$0x1] =	wrdreg $0xFFFFFFFF  }
0xa7: {  	s28 =	simm.s32 $_size_execute0_lowered;
	s2 =	sadd.s32 s2, s4;
	[dreg:$0x0] =	wrdreg $0x0  }
0xa8: {  	s4 =	sshll.u32 s28, $0x1;
	[dreg:$0x2] =	wrdreg s2  }
0xa9: {  	[dreg:$0x3] =	wrdreg s4  }
0xaa: {  	[dreg:$0x4] =	wrdreg $0xC0  }
0xab: {  	_ =	task [dreg:s6], $0x5FFFF  }
0xac: {  	[dreg:$0x1] =	wrdreg $0xFFFFFFFF  }
0xad: {  	[dreg:$0x0] =	wrdreg $0x60  }
0xae: {  	[dreg:$0x2] =	wrdreg s24  }
0xaf: {  	[dreg:$0x3] =	wrdreg $0x90000  }
0xb0: {  	[dreg:$0x4] =	wrdreg $0x9  }
0xb1: {  	_ =	task.clear_ibuf [dreg:s6], $0x5FFFF;
	_ =	strace $0x9000004F  }
0xb2: {  	s29 =	simm.s32 $0x9;
	_ =	strace $0x80000051  }
0xb3: {  	_ =	swait.ge [sflag:s29], $0x1  }
0xb4: {  	[sflag:s29] =	ssyncadd.s32 $0xFFFFFFFF  }
0xb5: {  	_ =	strace $0x90000051  }
0xb6: {  	_ =	sfence  }
0xb7: {  	s30 =	sld [smem:$0x0];
	_ =	sdelay $0x2  }
0xb8: {  	s31 =	sshll.u32 s1, $0xD;
	s1 =	sshrl.u32 s1, $0x2  }
0xb9: {  	s3 =	sand.u32 $0x4000, s31;
	s1 =	sadd.s32 s1, s30  }
0xba: {  	s0 =	sor.u32 s3, s0;
	s1 =	sshll.u32 s1, $0x11  }
0xbb: {  	s0 =	sor.u32 s1, s0  }
0xbc: {  	s0 =	sadd.s32 $0x8F2B, s0  }
0xbd: {  	[sflag:s0] =	ssyncadd.remote.s32 $0x1  }
0xbe: {  	_ =	sfence.sel $0xFFFF  }
0xbf: {  	[dreg:$0x0] =	wrdreg $0xFFFFFFFF;
	(pc) =	sbr.abs _section_cstart, $3  }
0xc0: {  	[dreg:$0x1] =	wrdreg $0xFFFFFFFF  }
0xc1: {  	_ =	task.clear_ibuf [dreg:s6], $0x2FFFF;
	_ =	strace $0x9FFFFFFF  }
0xc2: {  	(tm) =	ssettm $0x7FFFFFFF  }
0xc3: {  	_ =	shalt  }
tec
execute0_lowered:
.L_overlay_start_1:
0x0: {  	(tag) =	ssettag $0x1  }
0x1: {  	s0 =	srdreg.scid;
	s6 =	rddreg [dreg:$0x0]  }
0x2: {  	s2 =	rddreg [dreg:$0x1];
	s3 =	simm.s32 $0x0;
	s14 =	simm.s32 $0x80  }
0x3: {  	s15 =	simm.s32 $0x5000;
	s5 =	sand.u32 $0x1, s0;
	s0 =	stileid.u32  }
0x4: {  	s16 =	simm.s32 $0x1;
	s17 =	simm.s32 $0x0;
	s8 =	smul.u32 $0x14000, s0  }
0x5: {  	[smem:$0x7FF] =	sst s3;
	s1 =	sshll.u32 s5, $0x4;
	s9 =	smul.u32 $0x140000, s5  }
0x6: {  	s5 =	ssub.s32 $0x2, s5;
	s31 =	smul.u32 $0x50000, s0;
	s12 =	sshll.u32 s0, $0x6  }
0x7: {  	s4 =	sor.u32 s0, s1;
	s1 =	rddreg [dreg:$0x2];
	_ =	strace $0x80000050  }
0x8: {  	s11 =	sshrl.u32 s5, $0x1;
	s12 =	sor.u32 $0x1C02, s12;
	s7 =	smul.u32 $0x500, s4  }
0x9: {  	s4 =	sadd.s32 $0x36A00, s6;
	s10 =	sshrl.u32 s8, $0x3;
	s8 =	sadd.s32 s8, s9  }
0xa: {  	s11 =	ssub.s32 s5, s11;
	s9 =	sshrl.u32 s31, $0x2;
	s10 =	sadd.s32 s10, s6  }
0xb: {  	s8 =	sshrl.u32 s8, $0x3;
	s13 =	sadd.s32 s9, s2;
	s9 =	smax.u32 s11, $0x1  }
0xc: {  	s11 =	simm.s32 $0x2800;
	s7 =	sadd.s32 s7, s6;
	s8 =	sadd.s32 s8, s6  }
0xd: {  	s13 =	sshrl.u32 s13, $0x3;
	s5 =	sadd.s32 $0x86A00, s7;
	s6 =	sadd.s32 $0x4A00, s7  }
0xe: {  	s7 =	sadd.s32 $0xEA00, s10;
	s8 =	sadd.s32 $0x90A00, s8;
	s10 =	simm.s32 $0x2  }
.LBB2_1:
0xf: {  	[tilespmem:s3], [sflag:$0x2] =	stream.linear.gather [hbm4b:s5+s3], $0x2780, $0x38;
	[tilespmem:$0x1D000] =	vst v63  }
0x10: {  	_ =	swait.ge [sflag:s10], $0x2780  }
0x11: {  	[sflag:s10] =	ssyncset.done $0x0  }
0x12: {  	[sflag:s10] =	ssyncadd.s32 $0xFFFFD880  }
0x13: {  	[tilespmem:s11], [sflag:$0x2] =	stream.linear.gather [hbm4b:s6+s3], $0x2780, $0x38;
	[tilespmem:$0x1D000] =	vst v63  }
0x14: {  	_ =	swait.ge [sflag:s10], $0x2780  }
0x15: {  	[sflag:s10] =	ssyncset.done $0x0  }
0x16: {  	[sflag:s10] =	ssyncadd.s32 $0xFFFFD880  }
0x17: {  	[spmem:s13], [sflag:s12] =	dma.local [hbm:s7], $0x2800  }
0x18: {  	_ =	swait.ge [sflag:s10], $0x2800  }
0x19: {  	[sflag:s10] =	ssyncset.done $0x0  }
0x1a: {  	[sflag:s10] =	ssyncadd.s32 $0xFFFFD800  }
0x1b: {  	s18 =	simm.s32 $0x0;
	[bflag:$0x0] =	sbarrier.arrive $0xFFFF  }
0x1c: {  	[tilespmem:s15], [sflag:$0x1] =	stream.indirect.gather [hbm4b:s4+s14], $0x80, s18, s14, $0xb8;
	[tilespmem:$0x1D000] =	vst v63  }
0x1d: {  	_ =	swait.ge [sflag:s16], $0x4000  }
0x1e: {  	[sflag:s16] =	ssyncset.done $0x0  }
0x1f: {  	s31 =	simm.s32 $0x2800;
	[sflag:s16] =	ssyncadd.s32 $0xFFFFC000  }
0x20: {  	[spmem:s2] =	stream.indirect.scatter.add.f32 [tilespmem:s15], [sflag:$0x2], $0x80, s31, s14, $0xb8;
	[tilespmem:$0x1D000] =	vst v63  }
0x21: {  	_ =	swait.ge [sflag:s10], $0x4000  }
0x22: {  	s19 =	simm.s32 $0x400;
	s18 =	simm.s32 $0x200;
	[sflag:s10] =	ssyncset.done $0x0  }
.LBB2_2:
0x23: {  	s20 =	sshra.s32 s18, $0x2  }
0x24: {  	[sflag:s10] =	ssyncadd.s32 $0xFFFFC000;
	s18 =	smov.u32 s19;
	s21 =	sadd.s32 $0x200, s19  }
0x25: {  	[tilespmem:s15], [sflag:$0x1] =	stream.indirect.gather [hbm4b:s4+s14], $0x80, s20, s14, $0xb8;
	[tilespmem:$0x1D000] =	vst v63  }
0x26: {  	p0 =	sne.s32 s19, $0x9C00;
	_ =	swait.ge [sflag:s16], $0x4000  }
.Ltmp0:
0x27: {  	[sflag:s16] =	ssyncset.done $0x0;
	(pc) =	sbr.rel @p0 .LBB2_2-.Ltmp0, $4  }
0x28: {  	s19 =	sadd.s32 $0x2800, s20;
	[sflag:s16] =	ssyncadd.s32 $0xFFFFC000  }
0x29: {  	[spmem:s2] =	stream.indirect.scatter.add.f32 [tilespmem:s15], [sflag:$0x2], $0x80, s19, s14, $0xb8;
	[tilespmem:$0x1D000] =	vst v63  }
0x2a: {  	_ =	swait.ge [sflag:s10], $0x4000  }
0x2b: {  	s19 =	smov.u32 s21;
	[sflag:s10] =	ssyncset.done $0x0  }
0x2c: {  	s18 =	sshra.s32 s18, $0x2;
	[sflag:s10] =	ssyncadd.s32 $0xFFFFC000  }
0x2d: {  	[tilespmem:s15], [sflag:$0x1] =	stream.indirect.gather [hbm4b:s4+s14], $0x80, s18, s14, $0xb8;
	[tilespmem:$0x1D000] =	vst v63  }
0x2e: {  	_ =	swait.ge [sflag:s16], $0x4000  }
0x2f: {  	[sflag:s16] =	ssyncset.done $0x0  }
0x30: {  	s18 =	sadd.s32 $0x2800, s18;
	[sflag:s16] =	ssyncadd.s32 $0xFFFFC000  }
0x31: {  	[spmem:s2] =	stream.indirect.scatter.add.f32 [tilespmem:s15], [sflag:$0x2], $0x80, s18, s14, $0xb8;
	[tilespmem:$0x1D000] =	vst v63  }
0x32: {  	_ =	swait.ge [sflag:s10], $0x4000  }
0x33: {  	s17 =	sadd.s32 $0x1, s17;
	[sflag:s10] =	ssyncset.done $0x0  }
0x34: {  	p0 =	sne.s32 s17, s9;
	[sflag:s10] =	ssyncadd.s32 $0xFFFFC000  }
.Ltmp1:
0x35: {  	[bflag:$0x0] =	sbarrier.arrive $0xFFFF;
	(pc) =	sbr.rel @p0 .LBB2_1-.Ltmp1, $4  }
0x36: {  	[hbm:s8], [sflag:s12] =	dma.local [spmem:s13], $0x2800  }
0x37: {  	_ =	swait.ge [sflag:s10], $0x2800  }
0x38: {  	[sflag:s10] =	ssyncset.done $0x0  }
0x39: {  	[sflag:s10] =	ssyncadd.s32 $0xFFFFD800  }
0x3a: {  	_ =	sfence.sel $0x180000  }
0x3b: {  	[bflag:$0x0] =	sbarrier.arrive $0xFFFF  }
0x3c: {  	p0 =	sne.s32 s0, $0x0;
	_ =	strace $0x90000050  }
0x3d: {  	s0 =	sadd.s32 @!p0 $0x100000, s1;
	[bflag:$0x2] =	sbarrier.arrive $0xFFFF  }
0x3e: {  	[sflag:s0] =	ssyncadd.tile.s32 @!p0 $0x1;
	_ =	shalt  }
.Lfunc_end2:
_tile_overlayer_lowered:
.L_overlay_start_2:
0x3f: {  	(tag) =	ssettag $0x2  }
0x40: {  	s0 =	rddreg [dreg:$0x0];
	s2 =	stileid.u32  }
0x41: {  	s1 =	rddreg [dreg:$0x1];
	p0 =	sne.s32 s2, $0x0  }
0x42: {  	s3 =	rddreg [dreg:$0x2];
	[bflag:$0x3] =	sbarrier.arrive $0xFFFF;
	s2 =	simm.s32 @!p0 $0x1C02  }
0x43: {  	[timem:s3], [sflag:s2] =	dma.local @!p0 [hbm:s0], s1  }
0x44: {  	s0 =	simm.s32 @!p0 $0x2  }
0x45: {  	_ =	swait.ge @!p0 [sflag:s0], s1  }
0x46: {  	s1 =	ssub.s32 @!p0 $0x0, s1;
	[sflag:s0] =	ssyncset.done @!p0 $0x0  }
0x47: {  	[sflag:s0] =	ssyncadd.s32 @!p0 s1  }
0x48: {  	[bflag:$0x3] =	sbarrier.arrive $0xFFFF  }
0x49: {  	_ =	shalt  }

// kernel: kernel.24.cloned.1.call-start
scs
__scs_entry_jumppad:
0x0: {  	(pc) =	sbr.rel $0x88, $3  }
0x1: {  	(tag) =	ssettag $0x0;
	lr =	simm.s32 $0x1  }
0x2: {  	[smem:$0x3F8A] =	sst lr;
	_ =	strace $0xD0000000  }
0x3: {  	_ = 	snop  }
0x4: {  	_ = 	snop  }
0x5: {  	_ = 	snop  }
0x6: {  	_ = 	snop  }
0x7: {  	_ = 	snop  }
__scs_overlays_trampoline_lowered:
0x8: {  	[smem:$0x3F99] =	sst s0  }
0x9: {  	[smem:$0x3F9A] =	sst s1  }
0xa: {  	[smem:$0x3F9B] =	sst s2  }
0xb: {  	[smem:$0x3F9C] =	sst s3  }
0xc: {  	[smem:$0x3F9D] =	sst s4  }
0xd: {  	[smem:$0x3F9E] =	sst s5  }
0xe: {  	[smem:$0x3F9F] =	sst s6  }
0xf: {  	[smem:$0x3FA0] =	sst s7  }
0x10: {  	[smem:$0x3FA1] =	sst s8  }
0x11: {  	[smem:$0x3FA2] =	sst s9;
	s0 =	simm.s32 @!p0 $0x0  }
0x12: {  	s1 =	sld [smem:$0x3F88];
	s0 =	simm.s32 @p0 $0x1  }
0x13: {  	[smem:$0x3FA3] =	sst s0;
	s0 =	simm.s32 @!p1 $0x0  }
0x14: {  	s2 =	sld [smem:$0x3F87];
	s0 =	simm.s32 @p1 $0x1  }
0x15: {  	[smem:$0x3FA4] =	sst s0;
	s0 =	simm.s32 @!p2 $0x0  }
0x16: {  	s3 =	sld [smem:$0x3FDB];
	s0 =	simm.s32 @p2 $0x1  }
0x17: {  	s4 =	simm.s32 $0x1BF5;
	[smem:$0x3FA6] =	sst s0  }
0x18: {  	s0 =	sld [smem:$0x3F89];
	_ =	swait.ge [sflag:s4], $0x0  }
0x19: {  	s7 =	sld [smem:$0x3F8A]  }
0x1a: {  	s8 =	sadd.s32 $0xFFFFE003, lr  }
0x1b: {  	s9 =	sadd.s32 $0xFFFFFEF7, lr;
	s5 =	simm.s32 $0xFFFFFFFF;
	p2 =	slt.u32 s8, $0xFFFFF086  }
0x1c: {  	p1 =	slt.u32 s9, $0xF7A;
	s5 =	simm.s32 @!p2 $0x0  }
0x1d: {  	s5 =	simm.s32 @p1 $0x1;
	p0 =	seq.s32 s7, s2  }
0x1e: {  	s7 =	smul.u32 @!p0 $0xF7A, s2;
	p2 =	seq.s32 @!p0 s5, $0x0  }
0x1f: {  	s9 =	smul.u32 $0xF7A, s1;
	s8 =	simm.s32 @!p0 $0x1BF5;
	p2 =	por !p2, p0  }
0x20: {  	[sflag:s8] =	ssyncset.s32 @!p0 $0xFFFFF086;
	s6 =	sadd.s32 @!p0 s3, s7;
	s7 =	simm.s32 @!p0 $0x108  }
0x21: {  	s3 =	sadd.s32 s3, s9;
	s6 =	sadd.s32 @!p0 $0x88, s6;
	s7 =	simm.s32 @p2 $0x1082  }
0x22: {  	[simem:s7], [sflag:s8] =	dma.local @!p0 [hbm:s6], $0xF7A  }
0x23: {  	s9 =	sor.u32 $0xD0000000, s2;
	s6 =	simm.s32 $0x108;
	_ =	swait.ge @!p0 [sflag:s8], $0x0  }
0x24: {  	s3 =	sadd.s32 $0x88, s3;
	s6 =	simm.s32 @!p1 $0x1082;
	[sflag:s4] =	ssyncset.s32 $0xFFFFF086  }
0x25: {  	[simem:s6], [sflag:s4] =	dma.local [hbm:s3], $0xF7A  }
0x26: {  	[smem:$0x3F8A] =	sst s1;
	(tag) =	ssettag s2;
	_ =	strace s9  }
0x27: {  	s1 =	sld [smem:$0x3F9A]  }
0x28: {  	s2 =	sld [smem:$0x3F9B]  }
0x29: {  	s4 =	sld [smem:$0x3F9D]  }
0x2a: {  	p0 =	seq.s32 s5, $0x0;
	s5 =	sld [smem:$0x3F9E]  }
0x2b: {  	s6 =	sld [smem:$0x3F9F]  }
0x2c: {  	s7 =	sld [smem:$0x3FA0]  }
0x2d: {  	s3 =	simm.s32 $0x108;
	s8 =	sld [smem:$0x3FA1]  }
0x2e: {  	s3 =	simm.s32 @!p0 $0x1082;
	s9 =	sld [smem:$0x3FA2]  }
0x2f: {  	lr =	sadd.s32 s0, s3;
	s0 =	sld [smem:$0x3F99]  }
0x30: {  	s3 =	sld [smem:$0x3F9C]  }
0x31: {  	[smem:$0x3FA5] =	sst s10  }
0x32: {  	s10 =	sld [smem:$0x3FA3];
	_ =	sdelay $0x3  }
0x33: {  	p0 =	seq.s32 s10, $0x1;
	s10 =	sld [smem:$0x3FA5];
	_ =	sdelay $0x3  }
0x34: {  	[smem:$0x3FA5] =	sst s10  }
0x35: {  	s10 =	sld [smem:$0x3FA4];
	_ =	sdelay $0x3  }
0x36: {  	p1 =	seq.s32 s10, $0x1;
	s10 =	sld [smem:$0x3FA5];
	_ =	sdelay $0x3  }
0x37: {  	[smem:$0x3FA5] =	sst s10  }
0x38: {  	s10 =	sld [smem:$0x3FA6]  }
0x39: {  	_ = 	snop;
	(pc) =	sbr.ind lr, $3  }
0x3a: {  	_ = 	snop  }
0x3b: {  	_ = 	snop  }
0x3c: {  	p2 =	seq.s32 s10, $0x1;
	s10 =	sld [smem:$0x3FA5]  }
0x3d: {  	_ =	shalt  }
0x3e: {  	_ =	shalt  }
0x3f: {  	_ =	shalt  }
0x40: {  	_ =	shalt  }
0x41: {  	_ =	shalt  }
0x42: {  	_ =	shalt  }
0x43: {  	_ =	shalt  }
0x44: {  	_ =	shalt  }
0x45: {  	_ =	shalt  }
0x46: {  	_ =	shalt  }
0x47: {  	_ =	shalt  }
0x48: {  	_ =	shalt  }
0x49: {  	_ =	shalt  }
0x4a: {  	_ =	shalt  }
0x4b: {  	_ =	shalt  }
0x4c: {  	_ =	shalt  }
0x4d: {  	_ =	shalt  }
0x4e: {  	_ =	shalt  }
0x4f: {  	_ =	shalt  }
0x50: {  	_ =	shalt  }
0x51: {  	_ =	shalt  }
0x52: {  	_ =	shalt  }
0x53: {  	_ =	shalt  }
0x54: {  	_ =	shalt  }
0x55: {  	_ =	shalt  }
0x56: {  	_ =	shalt  }
0x57: {  	_ =	shalt  }
0x58: {  	_ =	shalt  }
0x59: {  	_ =	shalt  }
0x5a: {  	_ =	shalt  }
0x5b: {  	_ =	shalt  }
0x5c: {  	_ =	shalt  }
0x5d: {  	_ =	shalt  }
0x5e: {  	_ =	shalt  }
0x5f: {  	_ =	shalt  }
0x60: {  	_ =	shalt  }
0x61: {  	_ =	shalt  }
0x62: {  	_ =	shalt  }
0x63: {  	_ =	shalt  }
0x64: {  	_ =	shalt  }
0x65: {  	_ =	shalt  }
0x66: {  	_ =	shalt  }
0x67: {  	_ =	shalt  }
0x68: {  	_ =	shalt  }
0x69: {  	_ =	shalt  }
0x6a: {  	_ =	shalt  }
0x6b: {  	_ =	shalt  }
0x6c: {  	_ =	shalt  }
0x6d: {  	_ =	shalt  }
0x6e: {  	_ =	shalt  }
0x6f: {  	_ =	shalt  }
0x70: {  	_ =	shalt  }
0x71: {  	_ =	shalt  }
0x72: {  	_ =	shalt  }
0x73: {  	_ =	shalt  }
0x74: {  	_ =	shalt  }
0x75: {  	_ =	shalt  }
0x76: {  	_ =	shalt  }
0x77: {  	_ =	shalt  }
0x78: {  	_ =	shalt  }
0x79: {  	_ =	shalt  }
0x7a: {  	_ =	shalt  }
0x7b: {  	_ =	shalt  }
0x7c: {  	_ =	shalt  }
0x7d: {  	_ =	shalt  }
0x7e: {  	_ =	shalt  }
0x7f: {  	_ =	shalt  }
0x80: {  	_ =	shalt  }
0x81: {  	_ =	shalt  }
0x82: {  	_ =	shalt  }
0x83: {  	_ =	shalt  }
0x84: {  	_ =	shalt  }
0x85: {  	_ =	shalt  }
0x86: {  	_ =	shalt  }
0x87: {  	_ =	shalt  }
.Lfunc_end0:
.L_simem_size_0:
called_computation.4_lowered:
.L_overlay_start_0:
0x88: {  	s2 =	sld [smem:$0x3FD9]  }
0x89: {  	s3 =	sld [smem:$0x3FFE];
	_ =	sdelay $0x1  }
0x8a: {  	s1 =	srdreg.scid  }
0x8b: {  	s0 =	sand.u32 $0x1, s1  }
0x8c: {  	s16 =	sshll.u32 s0, $0xA;
	s2 =	sadd.s32 s3, s2  }
0x8d: {  	s2 =	sadd.s32 s2, s16  }
0x8e: {  	[smem:$0x3FB1] =	sst s2  }
0x8f: {  	_ = 	snop  }
0x90: {  	(tm) =	ssettm $0x1  }
0x91: {  	s17 =	sld [smem:$0x3FFB];
	_ =	sdelay $0x3  }
0x92: {  	_ =	strace s17  }
0x93: {  	s2 =	sld [smem:$0x3FFC];
	_ =	sdelay $0x3  }
0x94: {  	_ =	strace s2  }
0x95: {  	s2 =	sld [smem:$0x3FFD];
	_ =	sdelay $0x3  }
0x96: {  	_ =	strace s2  }
0x97: {  	_ =	strace $0x8FFFFFFF  }
0x98: {  	s18 =	sld [smem:$0x3FDB];
	_ =	sdelay $0x1  }
0x99: {  	s19 =	simm.s32 $_scs_section_size  }
0x9a: {  	s4 =	simm.s32 $_size__tile_overlayer_lowered;
	s5 =	simm.s32 $_tile_overlayer_lowered  }
0x9b: {  	s22 =	simm.s32 $0x1BFF;
	s21 =	sshll.u32 s5, $0x1;
	s2 =	sadd.s32 s19, s18  }
0x9c: {  	s6 =	simm.s32 $0x0;
	s20 =	sshll.u32 s4, $0x1;
	s4 =	sadd.s32 s21, s2  }
0x9d: {  	[timem:s6], [sflag:s22] =	dma.local [hbm:s4], s20  }
0x9e: {  	_ =	swait.ge [sflag:s22], s20  }
0x9f: {  	s3 =	ssub.s32 $0x0, s20;
	[sflag:s22] =	ssyncset.done $0x0  }
0xa0: {  	[sflag:s22] =	ssyncadd.s32 s3;
	_ =	sdelay $0x1  }
0xa1: {  	s23 =	simm.s32 $0x1B8B  }
0xa2: {  	_ =	swait.ge [sflag:s23], $0x1  }
0xa3: {  	[sflag:s23] =	ssyncset.done $0x0  }
0xa4: {  	s25 =	simm.s32 $0x1B8E;
	s24 =	sld [smem:$0x3FFE];
	[sflag:s23] =	ssyncadd.s32 $0xFFFFFFFF  }
0xa5: {  	s26 =	simm.s32 $execute0_lowered;
	[smem:$0x3FD2] =	sst s25  }
0xa6: {  	s4 =	sshll.u32 s26, $0x1;
	_ =	strace $0x80000052;
	[dreg:$0x1] =	wrdreg $0xFFFFFFFF  }
0xa7: {  	s28 =	simm.s32 $_size_execute0_lowered;
	s2 =	sadd.s32 s2, s4;
	[dreg:$0x0] =	wrdreg $0x0  }
0xa8: {  	s4 =	sshll.u32 s28, $0x1;
	[dreg:$0x2] =	wrdreg s2  }
0xa9: {  	[dreg:$0x3] =	wrdreg s4  }
0xaa: {  	[dreg:$0x4] =	wrdreg $0xC0  }
0xab: {  	_ =	task [dreg:s6], $0x5FFFF  }
0xac: {  	[dreg:$0x1] =	wrdreg $0xFFFFFFFF  }
0xad: {  	[dreg:$0x0] =	wrdreg $0x60  }
0xae: {  	[dreg:$0x2] =	wrdreg s24  }
0xaf: {  	[dreg:$0x3] =	wrdreg $0x9  }
0xb0: {  	_ =	task.clear_ibuf [dreg:s6], $0x4FFFF;
	_ =	strace $0x90000052  }
0xb1: {  	s29 =	simm.s32 $0x9;
	_ =	strace $0x80000054  }
0xb2: {  	_ =	swait.ge [sflag:s29], $0x1  }
0xb3: {  	[sflag:s29] =	ssyncadd.s32 $0xFFFFFFFF  }
0xb4: {  	_ =	strace $0x90000054  }
0xb5: {  	_ =	sfence  }
0xb6: {  	s30 =	sld [smem:$0x0];
	_ =	sdelay $0x2  }
0xb7: {  	s31 =	sshll.u32 s1, $0xD;
	s1 =	sshrl.u32 s1, $0x2  }
0xb8: {  	s3 =	sand.u32 $0x4000, s31;
	s1 =	sadd.s32 s1, s30  }
0xb9: {  	s0 =	sor.u32 s3, s0;
	s1 =	sshll.u32 s1, $0x11  }
0xba: {  	s0 =	sor.u32 s1, s0  }
0xbb: {  	s0 =	sadd.s32 $0x8F2B, s0  }
0xbc: {  	[sflag:s0] =	ssyncadd.remote.s32 $0x1  }
0xbd: {  	_ =	sfence.sel $0xFFFF  }
0xbe: {  	[dreg:$0x0] =	wrdreg $0xFFFFFFFF;
	(pc) =	sbr.abs _section_cstart, $3  }
0xbf: {  	[dreg:$0x1] =	wrdreg $0xFFFFFFFF  }
0xc0: {  	_ =	task.clear_ibuf [dreg:s6], $0x2FFFF;
	_ =	strace $0x9FFFFFFF  }
0xc1: {  	(tm) =	ssettm $0x7FFFFFFF  }
tec
execute0_lowered:
.L_overlay_start_1:
0x0: {  	(tag) =	ssettag $0x1  }
0x1: {  	s5 =	rddreg [dreg:$0x0]  }
0x2: {  	s1 =	srdreg.scid;
	s0 =	rddreg [dreg:$0x1]  }
0x3: {  	s2 =	simm.s32 $0x0;
	s11 =	simm.s32 $0x2800;
	s12 =	simm.s32 $0x80  }
0x4: {  	s13 =	simm.s32 $0x5000;
	s14 =	simm.s32 $0x9000;
	s15 =	simm.s32 $0x1  }
0x5: {  	s16 =	simm.s32 $0x2;
	s17 =	simm.s32 $0x0;
	s3 =	sand.u32 $0x1, s1  }
0x6: {  	s1 =	stileid.u32;
	[smem:$0x7FF] =	sst s2;
	s4 =	sshll.u32 s3, $0x4  }
0x7: {  	_ =	strace $0x80000053;
	s7 =	ssub.s32 $0x2, s3;
	s8 =	sor.u32 s1, s4  }
0x8: {  	s3 =	sadd.s32 $0xEA00, s5;
	s9 =	sshrl.u32 s7, $0x1;
	s6 =	smul.u32 $0x500, s8  }
0x9: {  	s4 =	sadd.s32 $0x36A00, s5;
	s9 =	ssub.s32 s7, s9;
	s8 =	smul.u32 $0x4F, s8  }
0xa: {  	s9 =	smax.u32 s9, $0x1;
	s10 =	sadd.s32 s6, s5;
	s5 =	sadd.s32 $0x90A00, s5  }
0xb: {  	s6 =	sadd.s32 $0x86A00, s10;
	s7 =	sadd.s32 $0x4A00, s10;
	s10 =	simm.s32 $0x3  }
.LBB2_1:
0xc: {  	[tilespmem:s2], [sflag:$0x3] =	stream.linear.gather [hbm4b:s6+s2], $0x2780, $0x38;
	[tilespmem:$0xD000] =	vst v63  }
0xd: {  	_ =	swait.ge [sflag:s10], $0x2780  }
0xe: {  	[sflag:s10] =	ssyncset.done $0x0  }
0xf: {  	[sflag:s10] =	ssyncadd.s32 $0xFFFFD880  }
0x10: {  	[tilespmem:s11], [sflag:$0x3] =	stream.linear.gather [hbm4b:s7+s2], $0x2780, $0x38;
	[tilespmem:$0xD000] =	vst v63  }
0x11: {  	_ =	swait.ge [sflag:s10], $0x2780  }
0x12: {  	[sflag:s10] =	ssyncset.done $0x0  }
0x13: {  	s18 =	simm.s32 $0x0;
	[sflag:s10] =	ssyncadd.s32 $0xFFFFD880  }
.LBB2_2:
0x14: {  	s19 =	sshll.u32 s18, $0x7  }
0x15: {  	[tilespmem:s13], [sflag:$0x1] =	stream.indirect.gather [hbm4b:s3+s12], $0x80, s19, s12, $0xb8;
	[tilespmem:$0xD000] =	vst v63  }
0x16: {  	s19 =	sadd.s32 $0x2800, s19  }
0x17: {  	[tilespmem:s14], [sflag:$0x2] =	stream.indirect.gather [hbm4b:s4+s12], $0x80, s19, s12, $0xb8;
	[tilespmem:$0xD000] =	vst v63  }
0x18: {  	_ =	swait.ge [sflag:s15], $0x4000  }
0x19: {  	[sflag:s15] =	ssyncset.done $0x0  }
0x1a: {  	[sflag:s15] =	ssyncadd.s32 $0xFFFFC000  }
0x1b: {  	_ =	swait.ge [sflag:s16], $0x4000  }
0x1c: {  	[sflag:s16] =	ssyncset.done $0x0  }
0x1d: {  	s19 =	simm.s32 $0x0;
	[sflag:s16] =	ssyncadd.s32 $0xFFFFC000  }
0x1e: {  	v7 =	vld [tilespmem:s19+$0x9000]  }
0x1f: {  	v11 =	vld [tilespmem:s19+$0x9010]  }
0x20: {  	v5 =	vld [tilespmem:s19+$0x9020]  }
0x21: {  	v4 =	vld [tilespmem:s19+$0x9030]  }
0x22: {  	v3 =	vld [tilespmem:s19+$0x9040]  }
0x23: {  	v2 =	vld [tilespmem:s19+$0x9050]  }
0x24: {  	v1 =	vld [tilespmem:s19+$0x9060]  }
0x25: {  	v0 =	vld [tilespmem:s19+$0x9070]  }
0x26: {  	v12 =	vld [tilespmem:s19+$0x5000]  }
0x27: {  	v13 =	vld [tilespmem:s19+$0x5010]  }
0x28: {  	v10 =	vld [tilespmem:s19+$0x5020]  }
0x29: {  	v9 =	vld [tilespmem:s19+$0x5030]  }
0x2a: {  	v8 =	vld [tilespmem:s19+$0x5040]  }
0x2b: {  	v6 =	vld [tilespmem:s19+$0x5050];
	v12 =	vadd.f32 v7, v12  }
0x2c: {  	s20 =	simm.s32 $0x200;
	v11 =	vadd.f32 v11, v13;
	v7 =	vld [tilespmem:s19+$0x5060]  }
.LBB2_3:
0x2d: {  	s21 =	sshra.s32 s20, $0x2;
	p0 =	sne.s32 s20, $0xFE00;
	[tilespmem:s19+$0x5000] =	vst v12;
	v5 =	vadd.f32 v5, v10;
	v10 =	vld [tilespmem:s19+$0x5070]  }
0x2e: {  	v12 =	vld [tilespmem:s21+$0x9000];
	[tilespmem:s19+$0x5010] =	vst v11;
	v4 =	vadd.f32 v4, v9  }
0x2f: {  	v11 =	vld [tilespmem:s21+$0x9010];
	[tilespmem:s19+$0x5020] =	vst v5;
	v3 =	vadd.f32 v3, v8  }
0x30: {  	v5 =	vld [tilespmem:s21+$0x9020];
	[tilespmem:s19+$0x5030] =	vst v4;
	v2 =	vadd.f32 v2, v6  }
0x31: {  	v4 =	vld [tilespmem:s21+$0x9030];
	[tilespmem:s19+$0x5040] =	vst v3;
	v1 =	vadd.f32 v1, v7  }
0x32: {  	v3 =	vld [tilespmem:s21+$0x9040];
	[tilespmem:s19+$0x5050] =	vst v2;
	v0 =	vadd.f32 v0, v10  }
0x33: {  	v2 =	vld [tilespmem:s21+$0x9050];
	[tilespmem:s19+$0x5060] =	vst v1  }
0x34: {  	v1 =	vld [tilespmem:s21+$0x9060];
	[tilespmem:s19+$0x5070] =	vst v0;
	s19 =	smov.u32 s21  }
0x35: {  	v0 =	vld [tilespmem:s19+$0x9070]  }
0x36: {  	v6 =	vld [tilespmem:s19+$0x5000]  }
0x37: {  	v7 =	vld [tilespmem:s19+$0x5010]  }
.Ltmp0:
0x38: {  	v10 =	vld [tilespmem:s19+$0x5020];
	(pc) =	sbr.rel @p0 .LBB2_3-.Ltmp0, $4  }
0x39: {  	v9 =	vld [tilespmem:s19+$0x5030]  }
0x3a: {  	v8 =	vld [tilespmem:s19+$0x5040]  }
0x3b: {  	v12 =	vadd.f32 v12, v6;
	v6 =	vld [tilespmem:s19+$0x5050]  }
0x3c: {  	s20 =	sadd.s32 $0x200, s20;
	v11 =	vadd.f32 v11, v7;
	v7 =	vld [tilespmem:s19+$0x5060]  }
0x3d: {  	[tilespmem:s19+$0x5000] =	vst v12;
	v5 =	vadd.f32 v5, v10;
	v63 =	vld [tilespmem:s19+$0x5070]  }
0x3e: {  	[tilespmem:s19+$0x5010] =	vst v11;
	v4 =	vadd.f32 v4, v9  }
0x3f: {  	[tilespmem:s19+$0x5020] =	vst v5;
	v3 =	vadd.f32 v3, v8  }
0x40: {  	[tilespmem:s19+$0x5030] =	vst v4;
	v2 =	vadd.f32 v2, v6  }
0x41: {  	[tilespmem:s19+$0x5040] =	vst v3;
	v1 =	vadd.f32 v1, v7  }
0x42: {  	s20 =	sadd.s32 s8, s18;
	s18 =	sadd.s32 $0x1, s18;
	[tilespmem:s19+$0x5050] =	vst v2;
	v0 =	vadd.f32 v0, v63  }
0x43: {  	s20 =	sshll.u32 s20, $0xB;
	p0 =	sne.s32 s18, $0x4F;
	[tilespmem:s19+$0x5060] =	vst v1  }
.Ltmp1:
0x44: {  	s31 =	sadd.s32 s5, s20;
	[tilespmem:s19+$0x5070] =	vst v0;
	(pc) =	sbr.rel @p0 .LBB2_2-.Ltmp1, $4  }
0x45: {  	[hbm4b:s31+s2] =	stream.linear.scatter [tilespmem:s13], [sflag:$0x3], $0x4000, $0x38;
	[tilespmem:$0xD000] =	vst v63  }
0x46: {  	_ =	swait.ge [sflag:s10], $0x4000  }
0x47: {  	[sflag:s10] =	ssyncset.done $0x0  }
0x48: {  	[sflag:s10] =	ssyncadd.s32 $0xFFFFC000  }
0x49: {  	s17 =	sadd.s32 $0x1, s17  }
0x4a: {  	p0 =	sne.s32 s17, s9  }
.Ltmp2:
0x4b: {  	_ = 	snop;
	(pc) =	sbr.rel @p0 .LBB2_1-.Ltmp2, $1  }
0x4c: {  	_ =	sdelay $0x3  }
0x4d: {  	_ =	sfence.sel $0x180000  }
0x4e: {  	[bflag:$0x0] =	sbarrier.arrive $0xFFFF  }
0x4f: {  	p0 =	sne.s32 s1, $0x0;
	_ =	strace $0x90000053  }
0x50: {  	s0 =	sadd.s32 @!p0 $0x100000, s0;
	[bflag:$0x2] =	sbarrier.arrive $0xFFFF  }
0x51: {  	[sflag:s0] =	ssyncadd.tile.s32 @!p0 $0x1;
	_ =	shalt  }
.Lfunc_end2:
_tile_overlayer_lowered:
.L_overlay_start_2:
0x52: {  	(tag) =	ssettag $0x2  }
0x53: {  	s0 =	rddreg [dreg:$0x0];
	s2 =	stileid.u32  }
0x54: {  	s1 =	rddreg [dreg:$0x1];
	p0 =	sne.s32 s2, $0x0  }
0x55: {  	s3 =	rddreg [dreg:$0x2];
	[bflag:$0x3] =	sbarrier.arrive $0xFFFF;
	s2 =	simm.s32 @!p0 $0x1C03  }
0x56: {  	[timem:s3], [sflag:s2] =	dma.local @!p0 [hbm:s0], s1  }
0x57: {  	s0 =	simm.s32 @!p0 $0x3  }
0x58: {  	_ =	swait.ge @!p0 [sflag:s0], s1  }
0x59: {  	s1 =	ssub.s32 @!p0 $0x0, s1;
	[sflag:s0] =	ssyncset.done @!p0 $0x0  }
0x5a: {  	[sflag:s0] =	ssyncadd.s32 @!p0 s1  }
0x5b: {  	[bflag:$0x3] =	sbarrier.arrive $0xFFFF  }
0x5c: {  	_ =	shalt  }

</sc_bundles>
